<compile_context>
chip_gen: v7x
topology: tpu7x:2x2x1
jax: 0.10.2.dev20260603
libtpu: 0.0.44.dev20260713+nightly
codegen_flags: <defaults>
</compile_context>

<pallas_src>
import functools

import jax
import jax.numpy as jnp
from jax import lax
from jax.experimental import pallas as pl
from jax.experimental.pallas import tpu as pltpu
from jax.experimental.pallas import tpu_sc as plsc

N_NODES = 10000
N_EDGES = 320000
IN_CH = 128
NREGION = 10

_NC, _NS = 2, 16
_NW = _NC * _NS
CH = 80
NCH = N_EDGES // (_NW * CH)
DEG_PAD = 10240


def _sc_mesh():
    return plsc.VectorSubcoreMesh(
        core_axis_name="c", subcore_axis_name="s",
        num_cores=_NC, num_subcores=_NS)


@functools.partial(
    pl.kernel,
    out_type=jax.ShapeDtypeStruct((_NC * DEG_PAD,), jnp.float32),
    mesh=_sc_mesh(),
    scratch_types=[
        pltpu.VMEM((NCH, CH), jnp.int32),
        pltpu.VMEM((CH,), jnp.float32),
        pltpu.VMEM((640,), jnp.float32),
        pltpu.VMEM_SHARED((DEG_PAD,), jnp.float32),
    ],
)
def _deg_kernel(dst_hbm, degp_hbm, idx_v, ones_v, zeros_v, acc_sh):
    c = lax.axis_index("c")
    s = lax.axis_index("s")
    w = c * _NS + s
    for i in range(CH // 16):
        ones_v[pl.ds(i * 16, 16)] = jnp.ones((16,), jnp.float32)
    for i in range(640 // 16):
        zeros_v[pl.ds(i * 16, 16)] = jnp.zeros((16,), jnp.float32)
    pltpu.sync_copy(zeros_v, acc_sh.at[pl.ds(s * 640, 640)])
    pltpu.sync_copy(dst_hbm.at[w], idx_v)
    plsc.subcore_barrier()

    def body(j, carry):
        pltpu.sync_copy(ones_v, acc_sh.at[idx_v.at[j]], add=True)
        return carry

    lax.fori_loop(0, NCH, body, 0)
    plsc.subcore_barrier()
    pltpu.sync_copy(acc_sh.at[pl.ds(s * 640, 640)],
                    degp_hbm.at[pl.ds(c * DEG_PAD + s * 640, 640)])


_HCH = IN_CH // 2
_NPAD = 12800
_RPT = _NPAD // _NS
_CH2 = 80
_NCH2 = 250
_EPTP = _NCH2 * _CH2


@functools.partial(
    pl.kernel,
    out_type=jax.ShapeDtypeStruct((_NPAD, IN_CH), jnp.float32),
    mesh=_sc_mesh(),
    scratch_types=[
        pltpu.VMEM((_NCH2, _CH2), jnp.int32),
        pltpu.VMEM((_NCH2, _CH2), jnp.int32),
        pltpu.VMEM((2, _CH2, _HCH), jnp.float32),
        pltpu.VMEM((160, _HCH), jnp.float32),
        pltpu.VMEM_SHARED((_NPAD, _HCH), jnp.float32),
        pltpu.SemaphoreType.DMA,
        pltpu.SemaphoreType.DMA,
        pltpu.SemaphoreType.DMA,
        pltpu.SemaphoreType.DMA,
    ],
    compiler_params=pltpu.CompilerParams(use_tc_tiling_on_sc=False),
)
def _msg_kernel(yw_hbm, src_hbm, dst_hbm, sp_hbm,
                sidx_v, didx_v, rows_v, zrow_v, acc_sh,
                sg0, sg1, ss0, ss1):
    c = lax.axis_index("c")
    s = lax.axis_index("s")

    def zbody(j, carry):
        for i in range(_HCH // 16):
            zrow_v[j, pl.ds(i * 16, 16)] = jnp.zeros((16,), jnp.float32)
        return carry

    lax.fori_loop(0, 160, zbody, 0)
    for k in range(_RPT // 160):
        pltpu.sync_copy(zrow_v, acc_sh.at[pl.ds(s * _RPT + k * 160, 160)])
    pltpu.sync_copy(src_hbm.at[s], sidx_v)
    pltpu.sync_copy(dst_hbm.at[s], didx_v)

    coff = jnp.full((16,), 0, jnp.int32) + c

    def ibody(j, carry):
        for i in range(_CH2 // 16):
            v = sidx_v[j, pl.ds(i * 16, 16)]
            sidx_v[j, pl.ds(i * 16, 16)] = v * 2 + coff
        return carry

    lax.fori_loop(0, _NCH2, ibody, 0)
    plsc.subcore_barrier()

    nit = _NCH2 // 2
    pltpu.async_copy(yw_hbm.at[sidx_v.at[0]], rows_v.at[0], sg0)
    pltpu.async_copy(yw_hbm.at[sidx_v.at[1]], rows_v.at[1], sg1)

    def body(t, carry):
        j0 = 2 * t
        pltpu.make_async_copy(
            yw_hbm.at[sidx_v.at[j0]], rows_v.at[0], sg0).wait()
        pltpu.async_copy(rows_v.at[0], acc_sh.at[didx_v.at[j0]], ss0,
                         add=True)

        @pl.when(t >= 1)
        def _():
            pltpu.make_async_copy(
                rows_v.at[0], acc_sh.at[didx_v.at[j0]], ss0).wait()

        @pl.when(t < nit - 1)
        def _():
            pltpu.async_copy(yw_hbm.at[sidx_v.at[j0 + 2]], rows_v.at[0], sg0)

        pltpu.make_async_copy(
            yw_hbm.at[sidx_v.at[j0 + 1]], rows_v.at[1], sg1).wait()
        pltpu.async_copy(rows_v.at[1], acc_sh.at[didx_v.at[j0 + 1]], ss1,
                         add=True)

        @pl.when(t >= 1)
        def _():
            pltpu.make_async_copy(
                rows_v.at[1], acc_sh.at[didx_v.at[j0 + 1]], ss1).wait()

        @pl.when(t < nit - 1)
        def _():
            pltpu.async_copy(yw_hbm.at[sidx_v.at[j0 + 3]], rows_v.at[1], sg1)

        return carry

    lax.fori_loop(0, nit, body, 0)
    pltpu.make_async_copy(
        rows_v.at[0], acc_sh.at[didx_v.at[_NCH2 - 2]], ss0).wait()
    pltpu.make_async_copy(
        rows_v.at[1], acc_sh.at[didx_v.at[_NCH2 - 1]], ss1).wait()
    plsc.subcore_barrier()
    for k in range(_RPT // 160):
        pltpu.sync_copy(
            acc_sh.at[pl.ds(s * _RPT + k * 160, 160)],
            sp_hbm.at[pl.ds(s * _RPT + k * 160, 160), pl.ds(c * _HCH, _HCH)])


_RB = 400


def _xw_body(state_ref, wc_ref, xw_ref):
    xw_ref[...] = jnp.dot(state_ref[...], wc_ref[...],
                          preferred_element_type=jnp.float32)


def _dexp_body(d0_ref, d1_ref, dinvb_ref):
    dinv = lax.rsqrt(d0_ref[...] + d1_ref[...] + 1.0)
    ones = jnp.ones((1, IN_CH), jnp.float32)
    for r in range(8):
        dinvb_ref[r * 128:(r + 1) * 128, :] = lax.dot_general(
            dinv[r:r + 1, :], ones, (((0,), (0,)), ((), ())),
            preferred_element_type=jnp.float32)


def _yw_body(xw_ref, dv_ref, yw_ref):
    yw_ref[...] = xw_ref[...] * dv_ref[...]


def _xsxd_body(s_ref, yw_ref, dv_ref, state_ref, bc_ref,
               w1a_ref, w1b_ref, b1_ref, xs_ref, xd_ref):
    gcn = dv_ref[...] * (s_ref[...] + yw_ref[...]) + bc_ref[...]
    x = jnp.maximum(gcn, 0.0) + state_ref[...]
    xs = jnp.dot(x, w1a_ref[...],
                 preferred_element_type=jnp.float32) + b1_ref[...]
    xd = jnp.dot(x, w1b_ref[...], preferred_element_type=jnp.float32)
    xs_ref[...] = xs.reshape(_RB // NREGION, NREGION, IN_CH)
    xd_ref[...] = xd.reshape(_RB // NREGION, NREGION, IN_CH)


_GB = 40


def _act_body(xs_ref, xd_ref, w20_ref, w21_ref, b2_ref, c0_ref, c1_ref):
    xd = xd_ref[...]
    w20 = w20_ref[...][None]
    w21 = w21_ref[...][None]
    b20 = b2_ref[0:1, 0:1]
    b21 = b2_ref[0:1, 1:2]
    for i0, w in ((0, 4), (4, 4), (8, 2)):
        z = jnp.concatenate(
            [xs_ref[:, i:i + 1, :] + xd for i in range(i0, i0 + w)], axis=1)
        h = jnp.where(z >= 0, z, 0.01 * z)
        c0_ref[:, i0 * 10:(i0 + w) * 10] = jnp.sum(h * w20, axis=-1) + b20
        c1_ref[:, i0 * 10:(i0 + w) * 10] = jnp.sum(h * w21, axis=-1) + b21


def _ratio_body(c0_ref, c1_ref, out_ref):
    def softplus(v):
        return jnp.maximum(v, 0.0) + jnp.log1p(jnp.exp(-jnp.abs(v)))

    p0 = softplus(c0_ref[...])
    p1 = softplus(c1_ref[...])
    a = p0 / (p0 + p1 + 1e-10)
    out_ref[...] = jnp.where(a < 0, 0.0, a)


def kernel(state, edge_index, edges, Wc, bc, W1, b1, W2, b2):
    del edges
    src2 = edge_index[0].reshape(_NW, NCH, CH)
    dst2 = edge_index[1].reshape(_NW, NCH, CH)

    nb = N_NODES // _RB
    xw = pl.pallas_call(
        _xw_body,
        grid=(nb,),
        in_specs=[
            pl.BlockSpec((_RB, IN_CH), lambda b: (b, 0)),
            pl.BlockSpec((IN_CH, IN_CH), lambda b: (0, 0)),
        ],
        out_specs=pl.BlockSpec((_RB, IN_CH), lambda b: (b, 0)),
        out_shape=jax.ShapeDtypeStruct((N_NODES, IN_CH), jnp.float32),
    )(state, Wc)

    degp = _deg_kernel(dst2)
    d0r = degp[:DEG_PAD].reshape(DEG_PAD // 128, 128)
    d1r = degp[DEG_PAD:].reshape(DEG_PAD // 128, 128)

    dinvb = pl.pallas_call(
        _dexp_body,
        grid=(DEG_PAD // 1024,),
        in_specs=[
            pl.BlockSpec((8, 128), lambda b: (b, 0)),
            pl.BlockSpec((8, 128), lambda b: (b, 0)),
        ],
        out_specs=pl.BlockSpec((1024, IN_CH), lambda b: (b, 0)),
        out_shape=jax.ShapeDtypeStruct((DEG_PAD, IN_CH), jnp.float32),
    )(d0r, d1r)

    yw = pl.pallas_call(
        _yw_body,
        grid=(nb,),
        in_specs=[
            pl.BlockSpec((_RB, IN_CH), lambda b: (b, 0)),
            pl.BlockSpec((_RB, IN_CH), lambda b: (b, 0)),
        ],
        out_specs=pl.BlockSpec((_RB, IN_CH), lambda b: (b, 0)),
        out_shape=jax.ShapeDtypeStruct((N_NODES, IN_CH), jnp.float32),
    )(xw, dinvb)

    srct = edge_index[0].reshape(_NS, _NCH2, _CH2)
    dstt = edge_index[1].reshape(_NS, _NCH2, _CH2)
    sp = _msg_kernel(yw.reshape(2 * N_NODES, _HCH), srct, dstt)

    w1a = W1[:, :IN_CH].T
    w1b = W1[:, IN_CH:].T
    xs, xd = pl.pallas_call(
        _xsxd_body,
        grid=(nb,),
        in_specs=[
            pl.BlockSpec((_RB, IN_CH), lambda b: (b, 0)),
            pl.BlockSpec((_RB, IN_CH), lambda b: (b, 0)),
            pl.BlockSpec((_RB, IN_CH), lambda b: (b, 0)),
            pl.BlockSpec((_RB, IN_CH), lambda b: (b, 0)),
            pl.BlockSpec((1, IN_CH), lambda b: (0, 0)),
            pl.BlockSpec((IN_CH, IN_CH), lambda b: (0, 0)),
            pl.BlockSpec((IN_CH, IN_CH), lambda b: (0, 0)),
            pl.BlockSpec((1, IN_CH), lambda b: (0, 0)),
        ],
        out_specs=[
            pl.BlockSpec((_RB // NREGION, NREGION, IN_CH), lambda b: (b, 0, 0)),
            pl.BlockSpec((_RB // NREGION, NREGION, IN_CH), lambda b: (b, 0, 0)),
        ],
        out_shape=[
            jax.ShapeDtypeStruct((N_NODES // NREGION, NREGION, IN_CH),
                                 jnp.float32),
            jax.ShapeDtypeStruct((N_NODES // NREGION, NREGION, IN_CH),
                                 jnp.float32),
        ],
    )(sp, yw, dinvb, state, bc.reshape(1, IN_CH), w1a, w1b,
      b1.reshape(1, IN_CH))

    ngraph = N_NODES // NREGION
    npair = NREGION * NREGION
    xs3 = xs
    xd3 = xd
    c0, c1 = pl.pallas_call(
        _act_body,
        grid=(ngraph // _GB,),
        in_specs=[
            pl.BlockSpec((_GB, NREGION, IN_CH), lambda b: (b, 0, 0)),
            pl.BlockSpec((_GB, NREGION, IN_CH), lambda b: (b, 0, 0)),
            pl.BlockSpec((1, IN_CH), lambda b: (0, 0)),
            pl.BlockSpec((1, IN_CH), lambda b: (0, 0)),
            pl.BlockSpec((1, 2), lambda b: (0, 0)),
        ],
        out_specs=[
            pl.BlockSpec((_GB, npair), lambda b: (b, 0)),
            pl.BlockSpec((_GB, npair), lambda b: (b, 0)),
        ],
        out_shape=[
            jax.ShapeDtypeStruct((ngraph, npair), jnp.float32),
            jax.ShapeDtypeStruct((ngraph, npair), jnp.float32),
        ],
    )(xs3, xd3, W2[0:1, :], W2[1:2, :], b2.reshape(1, 2))

    action = pl.pallas_call(
        _ratio_body,
        grid=(5,),
        in_specs=[
            pl.BlockSpec((ngraph // 5, npair), lambda b: (b, 0)),
            pl.BlockSpec((ngraph // 5, npair), lambda b: (b, 0)),
        ],
        out_specs=pl.BlockSpec((ngraph // 5, npair), lambda b: (b, 0)),
        out_shape=jax.ShapeDtypeStruct((ngraph, npair), jnp.float32),
    )(c0, c1)
    return action.reshape(ngraph, NREGION, NREGION)

# --- scband reference (transcript-rebuilt; emitter-appended) ---
"""Pipeline reference for scband-gnnactor1-27195732918296 (READ-ONLY COPY).

The authoritative reference and input builder live on the scoring server;
editing this copy changes nothing except your own understanding.
"""

import jax, jax.numpy as jnp
import numpy as np

NREGION = 10
IN_CH = 128
HIDDEN = 128
N_NODES = 10000
N_EDGES = 320000


def _make_edges():
    si, di = np.meshgrid(np.arange(NREGION), np.arange(NREGION), indexing='ij')
    return np.stack([si.reshape(-1), di.reshape(-1)], axis=1).astype(np.int32)


def setup_inputs(seed: int = 0) -> dict:
    key = jax.random.key(seed)
    ks = jax.random.split(key, 6)
    state = jax.random.normal(ks[0], (N_NODES, IN_CH), dtype=jnp.float32)
    edge_index = jax.random.randint(ks[1], (2, N_EDGES), 0, N_NODES, dtype=jnp.int32)
    Wc = jax.random.normal(ks[2], (IN_CH, IN_CH), dtype=jnp.float32) / np.sqrt(IN_CH)
    bc = jnp.zeros((IN_CH,), dtype=jnp.float32)
    W1 = jax.random.normal(ks[3], (HIDDEN, 2 * IN_CH), dtype=jnp.float32) / np.sqrt(2 * IN_CH)
    b1 = jnp.zeros((HIDDEN,), dtype=jnp.float32)
    W2 = jax.random.normal(ks[4], (2, HIDDEN), dtype=jnp.float32) / np.sqrt(HIDDEN)
    b2 = jnp.zeros((2,), dtype=jnp.float32)
    edges = jnp.asarray(_make_edges())
    return {"state": state, "edge_index": edge_index, "edges": edges,
            "Wc": Wc, "bc": bc, "W1": W1, "b1": b1, "W2": W2, "b2": b2}


def _gcn_conv(x, edge_index, Wc, bc):
    # torch_geometric GCNConv: x @ W, add self-loops, sym-normalize, scatter-add, + bias
    N = x.shape[0]
    loops = jnp.arange(N, dtype=edge_index.dtype)
    src = jnp.concatenate([edge_index[0], loops])
    dst = jnp.concatenate([edge_index[1], loops])
    xw = x @ Wc
    deg = jnp.zeros((N,), dtype=x.dtype).at[dst].add(1.0)
    dinv = jax.lax.rsqrt(jnp.maximum(deg, 1e-12))
    norm = dinv[src] * dinv[dst]
    msgs = xw[src] * norm[:, None]
    out = jnp.zeros((N, xw.shape[1]), dtype=x.dtype).at[dst].add(msgs)
    return out + bc


def reference(state, edge_index, edges, Wc, bc, W1, b1, W2, b2):
    # deterministic=True path of GNNActor1.forward
    out = jax.nn.relu(_gcn_conv(state, edge_index, Wc, bc))
    x = out + state
    x = x.reshape(-1, NREGION, IN_CH)  # [B, nregion, in_ch]
    es = edges[:, 0]
    ed = edges[:, 1]
    ef_src = x[:, es, :]
    ef_dst = x[:, ed, :]
    ef = jnp.concatenate([ef_src, ef_dst], axis=2)  # [B, nregion^2, 2*in_ch]
    h = jax.nn.leaky_relu(ef @ W1.T + b1, negative_slope=0.01)
    c = jax.nn.softplus(h @ W2.T + b2)  # [B, nregion^2, 2]
    action = c[..., 0] / (c[..., 0] + c[..., 1] + 1e-10)
    action = jnp.where(action < 0, 0.0, action)
    action = action.reshape(-1, NREGION, NREGION)
    return action

if __name__ == "__main__":
    import jax
    _d = setup_inputs()
    print(jax.jit(kernel)(*tuple(_d.values())))

</pallas_src>

<mosaic_0001>
#map = affine_map<(d0, d1) -> (0, 0, 0)>
#map1 = affine_map<(d0, d1) -> (0)>
module attributes {stable_mosaic.version = 14 : i64} {
  func.func @_deg_kernel(%arg0: i32, %arg1: i32, %arg2: memref<32x125x80xi32, #tpu.memory_space<hbm>>, %arg3: memref<20480xf32, #tpu.memory_space<hbm>>, %arg4: memref<125x80xi32, #tpu.memory_space<vmem>>, %arg5: memref<80xf32, #tpu.memory_space<vmem>>, %arg6: memref<640xf32, #tpu.memory_space<vmem>>, %arg7: memref<10240xf32, #tpu.memory_space<vmem_shared>>) attributes {dimension_semantics = [#tpu.dimension_semantics<core_parallel>, #tpu.dimension_semantics<subcore_parallel>], iteration_bounds = array<i64: 2, 16>, scalar_prefetch = 0 : i64, scratch_operands = 4 : i64, tpu.core_type = #tpu.core_type<sc_vector_subcore>, window_params = [{transform_indices = #map}, {transform_indices = #map1}]} {
    %mul3A = arith.constant 16 : i32
    %mul3A_0 = arith.muli %arg0, %mul3A : i32
    %add3A = arith.addi %mul3A_0, %arg1 : i32
    %broadcast_in_dim3A = arith.constant 1.000000e+00 : f32
    %broadcast_in_dim3A_1 = vector.broadcast %broadcast_in_dim3A : f32 to vector<16xf32>
    %swap3A = arith.constant 0 : index
    %swap3A_2 = tpu.vector_load %arg5[%swap3A] {strides = array<i32>} : memref<80xf32, #tpu.memory_space<vmem>>, vector<16xf32>,
    %swap3A_3 = vector.shape_cast %swap3A_2 : vector<16xf32> to vector<16xf32>
    %swap3A_4 = vector.shape_cast %broadcast_in_dim3A_1 : vector<16xf32> to vector<16xf32>
    tpu.vector_store %arg5[%swap3A], %swap3A_4 {strides = array<i32>} : memref<80xf32, #tpu.memory_space<vmem>>, vector<16xf32>,
    %broadcast_in_dim3A_5 = arith.constant 1.000000e+00 : f32
    %broadcast_in_dim3A_6 = vector.broadcast %broadcast_in_dim3A_5 : f32 to vector<16xf32>
    %swap3A_7 = arith.constant 16 : index
    %swap3A_8 = tpu.vector_load %arg5[%swap3A_7] {strides = array<i32>} : memref<80xf32, #tpu.memory_space<vmem>>, vector<16xf32>,
    %swap3A_9 = vector.shape_cast %swap3A_8 : vector<16xf32> to vector<16xf32>
    %swap3A_10 = vector.shape_cast %broadcast_in_dim3A_6 : vector<16xf32> to vector<16xf32>
    tpu.vector_store %arg5[%swap3A_7], %swap3A_10 {strides = array<i32>} : memref<80xf32, #tpu.memory_space<vmem>>, vector<16xf32>,
    %broadcast_in_dim3A_11 = arith.constant 1.000000e+00 : f32
    %broadcast_in_dim3A_12 = vector.broadcast %broadcast_in_dim3A_11 : f32 to vector<16xf32>
    %swap3A_13 = arith.constant 32 : index
    %swap3A_14 = tpu.vector_load %arg5[%swap3A_13] {strides = array<i32>} : memref<80xf32, #tpu.memory_space<vmem>>, vector<16xf32>,
    %swap3A_15 = vector.shape_cast %swap3A_14 : vector<16xf32> to vector<16xf32>
    %swap3A_16 = vector.shape_cast %broadcast_in_dim3A_12 : vector<16xf32> to vector<16xf32>
    tpu.vector_store %arg5[%swap3A_13], %swap3A_16 {strides = array<i32>} : memref<80xf32, #tpu.memory_space<vmem>>, vector<16xf32>,
    %broadcast_in_dim3A_17 = arith.constant 1.000000e+00 : f32
    %broadcast_in_dim3A_18 = vector.broadcast %broadcast_in_dim3A_17 : f32 to vector<16xf32>
    %swap3A_19 = arith.constant 48 : index
    %swap3A_20 = tpu.vector_load %arg5[%swap3A_19] {strides = array<i32>} : memref<80xf32, #tpu.memory_space<vmem>>, vector<16xf32>,
    %swap3A_21 = vector.shape_cast %swap3A_20 : vector<16xf32> to vector<16xf32>
    %swap3A_22 = vector.shape_cast %broadcast_in_dim3A_18 : vector<16xf32> to vector<16xf32>
    tpu.vector_store %arg5[%swap3A_19], %swap3A_22 {strides = array<i32>} : memref<80xf32, #tpu.memory_space<vmem>>, vector<16xf32>,
    %broadcast_in_dim3A_23 = arith.constant 1.000000e+00 : f32
    %broadcast_in_dim3A_24 = vector.broadcast %broadcast_in_dim3A_23 : f32 to vector<16xf32>
    %swap3A_25 = arith.constant 64 : index
    %swap3A_26 = tpu.vector_load %arg5[%swap3A_25] {strides = array<i32>} : memref<80xf32, #tpu.memory_space<vmem>>, vector<16xf32>,
    %swap3A_27 = vector.shape_cast %swap3A_26 : vector<16xf32> to vector<16xf32>
    %swap3A_28 = vector.shape_cast %broadcast_in_dim3A_24 : vector<16xf32> to vector<16xf32>
    tpu.vector_store %arg5[%swap3A_25], %swap3A_28 {strides = array<i32>} : memref<80xf32, #tpu.memory_space<vmem>>, vector<16xf32>,
    %broadcast_in_dim3A_29 = arith.constant 0.000000e+00 : f32
    %broadcast_in_dim3A_30 = vector.broadcast %broadcast_in_dim3A_29 : f32 to vector<16xf32>
    %swap3A_31 = arith.constant 0 : index
    %swap3A_32 = tpu.vector_load %arg6[%swap3A_31] {strides = array<i32>} : memref<640xf32, #tpu.memory_space<vmem>>, vector<16xf32>,
    %swap3A_33 = vector.shape_cast %swap3A_32 : vector<16xf32> to vector<16xf32>
    %swap3A_34 = vector.shape_cast %broadcast_in_dim3A_30 : vector<16xf32> to vector<16xf32>
    tpu.vector_store %arg6[%swap3A_31], %swap3A_34 {strides = array<i32>} : memref<640xf32, #tpu.memory_space<vmem>>, vector<16xf32>,
    %broadcast_in_dim3A_35 = arith.constant 0.000000e+00 : f32
    %broadcast_in_dim3A_36 = vector.broadcast %broadcast_in_dim3A_35 : f32 to vector<16xf32>
    %swap3A_37 = arith.constant 16 : index
    %swap3A_38 = tpu.vector_load %arg6[%swap3A_37] {strides = array<i32>} : memref<640xf32, #tpu.memory_space<vmem>>, vector<16xf32>,
    %swap3A_39 = vector.shape_cast %swap3A_38 : vector<16xf32> to vector<16xf32>
    %swap3A_40 = vector.shape_cast %broadcast_in_dim3A_36 : vector<16xf32> to vector<16xf32>
    tpu.vector_store %arg6[%swap3A_37], %swap3A_40 {strides = array<i32>} : memref<640xf32, #tpu.memory_space<vmem>>, vector<16xf32>,
    %broadcast_in_dim3A_41 = arith.constant 0.000000e+00 : f32
    %broadcast_in_dim3A_42 = vector.broadcast %broadcast_in_dim3A_41 : f32 to vector<16xf32>
    %swap3A_43 = arith.constant 32 : index
    %swap3A_44 = tpu.vector_load %arg6[%swap3A_43] {strides = array<i32>} : memref<640xf32, #tpu.memory_space<vmem>>, vector<16xf32>,
    %swap3A_45 = vector.shape_cast %swap3A_44 : vector<16xf32> to vector<16xf32>
    %swap3A_46 = vector.shape_cast %broadcast_in_dim3A_42 : vector<16xf32> to vector<16xf32>
    tpu.vector_store %arg6[%swap3A_43], %swap3A_46 {strides = array<i32>} : memref<640xf32, #tpu.memory_space<vmem>>, vector<16xf32>,
    %broadcast_in_dim3A_47 = arith.constant 0.000000e+00 : f32
    %broadcast_in_dim3A_48 = vector.broadcast %broadcast_in_dim3A_47 : f32 to vector<16xf32>
    %swap3A_49 = arith.constant 48 : index
    %swap3A_50 = tpu.vector_load %arg6[%swap3A_49] {strides = array<i32>} : memref<640xf32, #tpu.memory_space<vmem>>, vector<16xf32>,
    %swap3A_51 = vector.shape_cast %swap3A_50 : vector<16xf32> to vector<16xf32>
    %swap3A_52 = vector.shape_cast %broadcast_in_dim3A_48 : vector<16xf32> to vector<16xf32>
    tpu.vector_store %arg6[%swap3A_49], %swap3A_52 {strides = array<i32>} : memref<640xf32, #tpu.memory_space<vmem>>, vector<16xf32>,
    %broadcast_in_dim3A_53 = arith.constant 0.000000e+00 : f32
    %broadcast_in_dim3A_54 = vector.broadcast %broadcast_in_dim3A_53 : f32 to vector<16xf32>
    %swap3A_55 = arith.constant 64 : index
    %swap3A_56 = tpu.vector_load %arg6[%swap3A_55] {strides = array<i32>} : memref<640xf32, #tpu.memory_space<vmem>>, vector<16xf32>,
    %swap3A_57 = vector.shape_cast %swap3A_56 : vector<16xf32> to vector<16xf32>
    %swap3A_58 = vector.shape_cast %broadcast_in_dim3A_54 : vector<16xf32> to vector<16xf32>
    tpu.vector_store %arg6[%swap3A_55], %swap3A_58 {strides = array<i32>} : memref<640xf32, #tpu.memory_space<vmem>>, vector<16xf32>,
    %broadcast_in_dim3A_59 = arith.constant 0.000000e+00 : f32
    %broadcast_in_dim3A_60 = vector.broadcast %broadcast_in_dim3A_59 : f32 to vector<16xf32>
    %swap3A_61 = arith.constant 80 : index
    %swap3A_62 = tpu.vector_load %arg6[%swap3A_61] {strides = array<i32>} : memref<640xf32, #tpu.memory_space<vmem>>, vector<16xf32>,
    %swap3A_63 = vector.shape_cast %swap3A_62 : vector<16xf32> to vector<16xf32>
    %swap3A_64 = vector.shape_cast %broadcast_in_dim3A_60 : vector<16xf32> to vector<16xf32>
    tpu.vector_store %arg6[%swap3A_61], %swap3A_64 {strides = array<i32>} : memref<640xf32, #tpu.memory_space<vmem>>, vector<16xf32>,
    %broadcast_in_dim3A_65 = arith.constant 0.000000e+00 : f32
    %broadcast_in_dim3A_66 = vector.broadcast %broadcast_in_dim3A_65 : f32 to vector<16xf32>
    %swap3A_67 = arith.constant 96 : index
    %swap3A_68 = tpu.vector_load %arg6[%swap3A_67] {strides = array<i32>} : memref<640xf32, #tpu.memory_space<vmem>>, vector<16xf32>,
    %swap3A_69 = vector.shape_cast %swap3A_68 : vector<16xf32> to vector<16xf32>
    %swap3A_70 = vector.shape_cast %broadcast_in_dim3A_66 : vector<16xf32> to vector<16xf32>
    tpu.vector_store %arg6[%swap3A_67], %swap3A_70 {strides = array<i32>} : memref<640xf32, #tpu.memory_space<vmem>>, vector<16xf32>,
    %broadcast_in_dim3A_71 = arith.constant 0.000000e+00 : f32
    %broadcast_in_dim3A_72 = vector.broadcast %broadcast_in_dim3A_71 : f32 to vector<16xf32>
    %swap3A_73 = arith.constant 112 : index
    %swap3A_74 = tpu.vector_load %arg6[%swap3A_73] {strides = array<i32>} : memref<640xf32, #tpu.memory_space<vmem>>, vector<16xf32>,
    %swap3A_75 = vector.shape_cast %swap3A_74 : vector<16xf32> to vector<16xf32>
    %swap3A_76 = vector.shape_cast %broadcast_in_dim3A_72 : vector<16xf32> to vector<16xf32>
    tpu.vector_store %arg6[%swap3A_73], %swap3A_76 {strides = array<i32>} : memref<640xf32, #tpu.memory_space<vmem>>, vector<16xf32>,
    %broadcast_in_dim3A_77 = arith.constant 0.000000e+00 : f32
    %broadcast_in_dim3A_78 = vector.broadcast %broadcast_in_dim3A_77 : f32 to vector<16xf32>
    %swap3A_79 = arith.constant 128 : index
    %swap3A_80 = tpu.vector_load %arg6[%swap3A_79] {strides = array<i32>} : memref<640xf32, #tpu.memory_space<vmem>>, vector<16xf32>,
    %swap3A_81 = vector.shape_cast %swap3A_80 : vector<16xf32> to vector<16xf32>
    %swap3A_82 = vector.shape_cast %broadcast_in_dim3A_78 : vector<16xf32> to vector<16xf32>
    tpu.vector_store %arg6[%swap3A_79], %swap3A_82 {strides = array<i32>} : memref<640xf32, #tpu.memory_space<vmem>>, vector<16xf32>,
    %broadcast_in_dim3A_83 = arith.constant 0.000000e+00 : f32
    %broadcast_in_dim3A_84 = vector.broadcast %broadcast_in_dim3A_83 : f32 to vector<16xf32>
    %swap3A_85 = arith.constant 144 : index
    %swap3A_86 = tpu.vector_load %arg6[%swap3A_85] {strides = array<i32>} : memref<640xf32, #tpu.memory_space<vmem>>, vector<16xf32>,
    %swap3A_87 = vector.shape_cast %swap3A_86 : vector<16xf32> to vector<16xf32>
    %swap3A_88 = vector.shape_cast %broadcast_in_dim3A_84 : vector<16xf32> to vector<16xf32>
    tpu.vector_store %arg6[%swap3A_85], %swap3A_88 {strides = array<i32>} : memref<640xf32, #tpu.memory_space<vmem>>, vector<16xf32>,
    %broadcast_in_dim3A_89 = arith.constant 0.000000e+00 : f32
    %broadcast_in_dim3A_90 = vector.broadcast %broadcast_in_dim3A_89 : f32 to vector<16xf32>
    %swap3A_91 = arith.constant 160 : index
    %swap3A_92 = tpu.vector_load %arg6[%swap3A_91] {strides = array<i32>} : memref<640xf32, #tpu.memory_space<vmem>>, vector<16xf32>,
    %swap3A_93 = vector.shape_cast %swap3A_92 : vector<16xf32> to vector<16xf32>
    %swap3A_94 = vector.shape_cast %broadcast_in_dim3A_90 : vector<16xf32> to vector<16xf32>
    tpu.vector_store %arg6[%swap3A_91], %swap3A_94 {strides = array<i32>} : memref<640xf32, #tpu.memory_space<vmem>>, vector<16xf32>,
    %broadcast_in_dim3A_95 = arith.constant 0.000000e+00 : f32
    %broadcast_in_dim3A_96 = vector.broadcast %broadcast_in_dim3A_95 : f32 to vector<16xf32>
    %swap3A_97 = arith.constant 176 : index
    %swap3A_98 = tpu.vector_load %arg6[%swap3A_97] {strides = array<i32>} : memref<640xf32, #tpu.memory_space<vmem>>, vector<16xf32>,
    %swap3A_99 = vector.shape_cast %swap3A_98 : vector<16xf32> to vector<16xf32>
    %swap3A_100 = vector.shape_cast %broadcast_in_dim3A_96 : vector<16xf32> to vector<16xf32>
    tpu.vector_store %arg6[%swap3A_97], %swap3A_100 {strides = array<i32>} : memref<640xf32, #tpu.memory_space<vmem>>, vector<16xf32>,
    %broadcast_in_dim3A_101 = arith.constant 0.000000e+00 : f32
    %broadcast_in_dim3A_102 = vector.broadcast %broadcast_in_dim3A_101 : f32 to vector<16xf32>
    %swap3A_103 = arith.constant 192 : index
    %swap3A_104 = tpu.vector_load %arg6[%swap3A_103] {strides = array<i32>} : memref<640xf32, #tpu.memory_space<vmem>>, vector<16xf32>,
    %swap3A_105 = vector.shape_cast %swap3A_104 : vector<16xf32> to vector<16xf32>
    %swap3A_106 = vector.shape_cast %broadcast_in_dim3A_102 : vector<16xf32> to vector<16xf32>
    tpu.vector_store %arg6[%swap3A_103], %swap3A_106 {strides = array<i32>} : memref<640xf32, #tpu.memory_space<vmem>>, vector<16xf32>,
    %broadcast_in_dim3A_107 = arith.constant 0.000000e+00 : f32
    %broadcast_in_dim3A_108 = vector.broadcast %broadcast_in_dim3A_107 : f32 to vector<16xf32>
    %swap3A_109 = arith.constant 208 : index
    %swap3A_110 = tpu.vector_load %arg6[%swap3A_109] {strides = array<i32>} : memref<640xf32, #tpu.memory_space<vmem>>, vector<16xf32>,
    %swap3A_111 = vector.shape_cast %swap3A_110 : vector<16xf32> to vector<16xf32>
    %swap3A_112 = vector.shape_cast %broadcast_in_dim3A_108 : vector<16xf32> to vector<16xf32>
    tpu.vector_store %arg6[%swap3A_109], %swap3A_112 {strides = array<i32>} : memref<640xf32, #tpu.memory_space<vmem>>, vector<16xf32>,
    %broadcast_in_dim3A_113 = arith.constant 0.000000e+00 : f32
    %broadcast_in_dim3A_114 = vector.broadcast %broadcast_in_dim3A_113 : f32 to vector<16xf32>
    %swap3A_115 = arith.constant 224 : index
    %swap3A_116 = tpu.vector_load %arg6[%swap3A_115] {strides = array<i32>} : memref<640xf32, #tpu.memory_space<vmem>>, vector<16xf32>,
    %swap3A_117 = vector.shape_cast %swap3A_116 : vector<16xf32> to vector<16xf32>
    %swap3A_118 = vector.shape_cast %broadcast_in_dim3A_114 : vector<16xf32> to vector<16xf32>
    tpu.vector_store %arg6[%swap3A_115], %swap3A_118 {strides = array<i32>} : memref<640xf32, #tpu.memory_space<vmem>>, vector<16xf32>,
    %broadcast_in_dim3A_119 = arith.constant 0.000000e+00 : f32
    %broadcast_in_dim3A_120 = vector.broadcast %broadcast_in_dim3A_119 : f32 to vector<16xf32>
    %swap3A_121 = arith.constant 240 : index
    %swap3A_122 = tpu.vector_load %arg6[%swap3A_121] {strides = array<i32>} : memref<640xf32, #tpu.memory_space<vmem>>, vector<16xf32>,
    %swap3A_123 = vector.shape_cast %swap3A_122 : vector<16xf32> to vector<16xf32>
    %swap3A_124 = vector.shape_cast %broadcast_in_dim3A_120 : vector<16xf32> to vector<16xf32>
    tpu.vector_store %arg6[%swap3A_121], %swap3A_124 {strides = array<i32>} : memref<640xf32, #tpu.memory_space<vmem>>, vector<16xf32>,
    %broadcast_in_dim3A_125 = arith.constant 0.000000e+00 : f32
    %broadcast_in_dim3A_126 = vector.broadcast %broadcast_in_dim3A_125 : f32 to vector<16xf32>
    %swap3A_127 = arith.constant 256 : index
    %swap3A_128 = tpu.vector_load %arg6[%swap3A_127] {strides = array<i32>} : memref<640xf32, #tpu.memory_space<vmem>>, vector<16xf32>,
    %swap3A_129 = vector.shape_cast %swap3A_128 : vector<16xf32> to vector<16xf32>
    %swap3A_130 = vector.shape_cast %broadcast_in_dim3A_126 : vector<16xf32> to vector<16xf32>
    tpu.vector_store %arg6[%swap3A_127], %swap3A_130 {strides = array<i32>} : memref<640xf32, #tpu.memory_space<vmem>>, vector<16xf32>,
    %broadcast_in_dim3A_131 = arith.constant 0.000000e+00 : f32
    %broadcast_in_dim3A_132 = vector.broadcast %broadcast_in_dim3A_131 : f32 to vector<16xf32>
    %swap3A_133 = arith.constant 272 : index
    %swap3A_134 = tpu.vector_load %arg6[%swap3A_133] {strides = array<i32>} : memref<640xf32, #tpu.memory_space<vmem>>, vector<16xf32>,
    %swap3A_135 = vector.shape_cast %swap3A_134 : vector<16xf32> to vector<16xf32>
    %swap3A_136 = vector.shape_cast %broadcast_in_dim3A_132 : vector<16xf32> to vector<16xf32>
    tpu.vector_store %arg6[%swap3A_133], %swap3A_136 {strides = array<i32>} : memref<640xf32, #tpu.memory_space<vmem>>, vector<16xf32>,
    %broadcast_in_dim3A_137 = arith.constant 0.000000e+00 : f32
    %broadcast_in_dim3A_138 = vector.broadcast %broadcast_in_dim3A_137 : f32 to vector<16xf32>
    %swap3A_139 = arith.constant 288 : index
    %swap3A_140 = tpu.vector_load %arg6[%swap3A_139] {strides = array<i32>} : memref<640xf32, #tpu.memory_space<vmem>>, vector<16xf32>,
    %swap3A_141 = vector.shape_cast %swap3A_140 : vector<16xf32> to vector<16xf32>
    %swap3A_142 = vector.shape_cast %broadcast_in_dim3A_138 : vector<16xf32> to vector<16xf32>
    tpu.vector_store %arg6[%swap3A_139], %swap3A_142 {strides = array<i32>} : memref<640xf32, #tpu.memory_space<vmem>>, vector<16xf32>,
    %broadcast_in_dim3A_143 = arith.constant 0.000000e+00 : f32
    %broadcast_in_dim3A_144 = vector.broadcast %broadcast_in_dim3A_143 : f32 to vector<16xf32>
    %swap3A_145 = arith.constant 304 : index
    %swap3A_146 = tpu.vector_load %arg6[%swap3A_145] {strides = array<i32>} : memref<640xf32, #tpu.memory_space<vmem>>, vector<16xf32>,
    %swap3A_147 = vector.shape_cast %swap3A_146 : vector<16xf32> to vector<16xf32>
    %swap3A_148 = vector.shape_cast %broadcast_in_dim3A_144 : vector<16xf32> to vector<16xf32>
    tpu.vector_store %arg6[%swap3A_145], %swap3A_148 {strides = array<i32>} : memref<640xf32, #tpu.memory_space<vmem>>, vector<16xf32>,
    %broadcast_in_dim3A_149 = arith.constant 0.000000e+00 : f32
    %broadcast_in_dim3A_150 = vector.broadcast %broadcast_in_dim3A_149 : f32 to vector<16xf32>
    %swap3A_151 = arith.constant 320 : index
    %swap3A_152 = tpu.vector_load %arg6[%swap3A_151] {strides = array<i32>} : memref<640xf32, #tpu.memory_space<vmem>>, vector<16xf32>,
    %swap3A_153 = vector.shape_cast %swap3A_152 : vector<16xf32> to vector<16xf32>
    %swap3A_154 = vector.shape_cast %broadcast_in_dim3A_150 : vector<16xf32> to vector<16xf32>
    tpu.vector_store %arg6[%swap3A_151], %swap3A_154 {strides = array<i32>} : memref<640xf32, #tpu.memory_space<vmem>>, vector<16xf32>,
    %broadcast_in_dim3A_155 = arith.constant 0.000000e+00 : f32
    %broadcast_in_dim3A_156 = vector.broadcast %broadcast_in_dim3A_155 : f32 to vector<16xf32>
    %swap3A_157 = arith.constant 336 : index
    %swap3A_158 = tpu.vector_load %arg6[%swap3A_157] {strides = array<i32>} : memref<640xf32, #tpu.memory_space<vmem>>, vector<16xf32>,
    %swap3A_159 = vector.shape_cast %swap3A_158 : vector<16xf32> to vector<16xf32>
    %swap3A_160 = vector.shape_cast %broadcast_in_dim3A_156 : vector<16xf32> to vector<16xf32>
    tpu.vector_store %arg6[%swap3A_157], %swap3A_160 {strides = array<i32>} : memref<640xf32, #tpu.memory_space<vmem>>, vector<16xf32>,
    %broadcast_in_dim3A_161 = arith.constant 0.000000e+00 : f32
    %broadcast_in_dim3A_162 = vector.broadcast %broadcast_in_dim3A_161 : f32 to vector<16xf32>
    %swap3A_163 = arith.constant 352 : index
    %swap3A_164 = tpu.vector_load %arg6[%swap3A_163] {strides = array<i32>} : memref<640xf32, #tpu.memory_space<vmem>>, vector<16xf32>,
    %swap3A_165 = vector.shape_cast %swap3A_164 : vector<16xf32> to vector<16xf32>
    %swap3A_166 = vector.shape_cast %broadcast_in_dim3A_162 : vector<16xf32> to vector<16xf32>
    tpu.vector_store %arg6[%swap3A_163], %swap3A_166 {strides = array<i32>} : memref<640xf32, #tpu.memory_space<vmem>>, vector<16xf32>,
    %broadcast_in_dim3A_167 = arith.constant 0.000000e+00 : f32
    %broadcast_in_dim3A_168 = vector.broadcast %broadcast_in_dim3A_167 : f32 to vector<16xf32>
    %swap3A_169 = arith.constant 368 : index
    %swap3A_170 = tpu.vector_load %arg6[%swap3A_169] {strides = array<i32>} : memref<640xf32, #tpu.memory_space<vmem>>, vector<16xf32>,
    %swap3A_171 = vector.shape_cast %swap3A_170 : vector<16xf32> to vector<16xf32>
    %swap3A_172 = vector.shape_cast %broadcast_in_dim3A_168 : vector<16xf32> to vector<16xf32>
    tpu.vector_store %arg6[%swap3A_169], %swap3A_172 {strides = array<i32>} : memref<640xf32, #tpu.memory_space<vmem>>, vector<16xf32>,
    %broadcast_in_dim3A_173 = arith.constant 0.000000e+00 : f32
    %broadcast_in_dim3A_174 = vector.broadcast %broadcast_in_dim3A_173 : f32 to vector<16xf32>
    %swap3A_175 = arith.constant 384 : index
    %swap3A_176 = tpu.vector_load %arg6[%swap3A_175] {strides = array<i32>} : memref<640xf32, #tpu.memory_space<vmem>>, vector<16xf32>,
    %swap3A_177 = vector.shape_cast %swap3A_176 : vector<16xf32> to vector<16xf32>
    %swap3A_178 = vector.shape_cast %broadcast_in_dim3A_174 : vector<16xf32> to vector<16xf32>
    tpu.vector_store %arg6[%swap3A_175], %swap3A_178 {strides = array<i32>} : memref<640xf32, #tpu.memory_space<vmem>>, vector<16xf32>,
    %broadcast_in_dim3A_179 = arith.constant 0.000000e+00 : f32
    %broadcast_in_dim3A_180 = vector.broadcast %broadcast_in_dim3A_179 : f32 to vector<16xf32>
    %swap3A_181 = arith.constant 400 : index
    %swap3A_182 = tpu.vector_load %arg6[%swap3A_181] {strides = array<i32>} : memref<640xf32, #tpu.memory_space<vmem>>, vector<16xf32>,
    %swap3A_183 = vector.shape_cast %swap3A_182 : vector<16xf32> to vector<16xf32>
    %swap3A_184 = vector.shape_cast %broadcast_in_dim3A_180 : vector<16xf32> to vector<16xf32>
    tpu.vector_store %arg6[%swap3A_181], %swap3A_184 {strides = array<i32>} : memref<640xf32, #tpu.memory_space<vmem>>, vector<16xf32>,
    %broadcast_in_dim3A_185 = arith.constant 0.000000e+00 : f32
    %broadcast_in_dim3A_186 = vector.broadcast %broadcast_in_dim3A_185 : f32 to vector<16xf32>
    %swap3A_187 = arith.constant 416 : index
    %swap3A_188 = tpu.vector_load %arg6[%swap3A_187] {strides = array<i32>} : memref<640xf32, #tpu.memory_space<vmem>>, vector<16xf32>,
    %swap3A_189 = vector.shape_cast %swap3A_188 : vector<16xf32> to vector<16xf32>
    %swap3A_190 = vector.shape_cast %broadcast_in_dim3A_186 : vector<16xf32> to vector<16xf32>
    tpu.vector_store %arg6[%swap3A_187], %swap3A_190 {strides = array<i32>} : memref<640xf32, #tpu.memory_space<vmem>>, vector<16xf32>,
    %broadcast_in_dim3A_191 = arith.constant 0.000000e+00 : f32
    %broadcast_in_dim3A_192 = vector.broadcast %broadcast_in_dim3A_191 : f32 to vector<16xf32>
    %swap3A_193 = arith.constant 432 : index
    %swap3A_194 = tpu.vector_load %arg6[%swap3A_193] {strides = array<i32>} : memref<640xf32, #tpu.memory_space<vmem>>, vector<16xf32>,
    %swap3A_195 = vector.shape_cast %swap3A_194 : vector<16xf32> to vector<16xf32>
    %swap3A_196 = vector.shape_cast %broadcast_in_dim3A_192 : vector<16xf32> to vector<16xf32>
    tpu.vector_store %arg6[%swap3A_193], %swap3A_196 {strides = array<i32>} : memref<640xf32, #tpu.memory_space<vmem>>, vector<16xf32>,
    %broadcast_in_dim3A_197 = arith.constant 0.000000e+00 : f32
    %broadcast_in_dim3A_198 = vector.broadcast %broadcast_in_dim3A_197 : f32 to vector<16xf32>
    %swap3A_199 = arith.constant 448 : index
    %swap3A_200 = tpu.vector_load %arg6[%swap3A_199] {strides = array<i32>} : memref<640xf32, #tpu.memory_space<vmem>>, vector<16xf32>,
    %swap3A_201 = vector.shape_cast %swap3A_200 : vector<16xf32> to vector<16xf32>
    %swap3A_202 = vector.shape_cast %broadcast_in_dim3A_198 : vector<16xf32> to vector<16xf32>
    tpu.vector_store %arg6[%swap3A_199], %swap3A_202 {strides = array<i32>} : memref<640xf32, #tpu.memory_space<vmem>>, vector<16xf32>,
    %broadcast_in_dim3A_203 = arith.constant 0.000000e+00 : f32
    %broadcast_in_dim3A_204 = vector.broadcast %broadcast_in_dim3A_203 : f32 to vector<16xf32>
    %swap3A_205 = arith.constant 464 : index
    %swap3A_206 = tpu.vector_load %arg6[%swap3A_205] {strides = array<i32>} : memref<640xf32, #tpu.memory_space<vmem>>, vector<16xf32>,
    %swap3A_207 = vector.shape_cast %swap3A_206 : vector<16xf32> to vector<16xf32>
    %swap3A_208 = vector.shape_cast %broadcast_in_dim3A_204 : vector<16xf32> to vector<16xf32>
    tpu.vector_store %arg6[%swap3A_205], %swap3A_208 {strides = array<i32>} : memref<640xf32, #tpu.memory_space<vmem>>, vector<16xf32>,
    %broadcast_in_dim3A_209 = arith.constant 0.000000e+00 : f32
    %broadcast_in_dim3A_210 = vector.broadcast %broadcast_in_dim3A_209 : f32 to vector<16xf32>
    %swap3A_211 = arith.constant 480 : index
    %swap3A_212 = tpu.vector_load %arg6[%swap3A_211] {strides = array<i32>} : memref<640xf32, #tpu.memory_space<vmem>>, vector<16xf32>,
    %swap3A_213 = vector.shape_cast %swap3A_212 : vector<16xf32> to vector<16xf32>
    %swap3A_214 = vector.shape_cast %broadcast_in_dim3A_210 : vector<16xf32> to vector<16xf32>
    tpu.vector_store %arg6[%swap3A_211], %swap3A_214 {strides = array<i32>} : memref<640xf32, #tpu.memory_space<vmem>>, vector<16xf32>,
    %broadcast_in_dim3A_215 = arith.constant 0.000000e+00 : f32
    %broadcast_in_dim3A_216 = vector.broadcast %broadcast_in_dim3A_215 : f32 to vector<16xf32>
    %swap3A_217 = arith.constant 496 : index
    %swap3A_218 = tpu.vector_load %arg6[%swap3A_217] {strides = array<i32>} : memref<640xf32, #tpu.memory_space<vmem>>, vector<16xf32>,
    %swap3A_219 = vector.shape_cast %swap3A_218 : vector<16xf32> to vector<16xf32>
    %swap3A_220 = vector.shape_cast %broadcast_in_dim3A_216 : vector<16xf32> to vector<16xf32>
    tpu.vector_store %arg6[%swap3A_217], %swap3A_220 {strides = array<i32>} : memref<640xf32, #tpu.memory_space<vmem>>, vector<16xf32>,
    %broadcast_in_dim3A_221 = arith.constant 0.000000e+00 : f32
    %broadcast_in_dim3A_222 = vector.broadcast %broadcast_in_dim3A_221 : f32 to vector<16xf32>
    %swap3A_223 = arith.constant 512 : index
    %swap3A_224 = tpu.vector_load %arg6[%swap3A_223] {strides = array<i32>} : memref<640xf32, #tpu.memory_space<vmem>>, vector<16xf32>,
    %swap3A_225 = vector.shape_cast %swap3A_224 : vector<16xf32> to vector<16xf32>
    %swap3A_226 = vector.shape_cast %broadcast_in_dim3A_222 : vector<16xf32> to vector<16xf32>
    tpu.vector_store %arg6[%swap3A_223], %swap3A_226 {strides = array<i32>} : memref<640xf32, #tpu.memory_space<vmem>>, vector<16xf32>,
    %broadcast_in_dim3A_227 = arith.constant 0.000000e+00 : f32
    %broadcast_in_dim3A_228 = vector.broadcast %broadcast_in_dim3A_227 : f32 to vector<16xf32>
    %swap3A_229 = arith.constant 528 : index
    %swap3A_230 = tpu.vector_load %arg6[%swap3A_229] {strides = array<i32>} : memref<640xf32, #tpu.memory_space<vmem>>, vector<16xf32>,
    %swap3A_231 = vector.shape_cast %swap3A_230 : vector<16xf32> to vector<16xf32>
    %swap3A_232 = vector.shape_cast %broadcast_in_dim3A_228 : vector<16xf32> to vector<16xf32>
    tpu.vector_store %arg6[%swap3A_229], %swap3A_232 {strides = array<i32>} : memref<640xf32, #tpu.memory_space<vmem>>, vector<16xf32>,
    %broadcast_in_dim3A_233 = arith.constant 0.000000e+00 : f32
    %broadcast_in_dim3A_234 = vector.broadcast %broadcast_in_dim3A_233 : f32 to vector<16xf32>
    %swap3A_235 = arith.constant 544 : index
    %swap3A_236 = tpu.vector_load %arg6[%swap3A_235] {strides = array<i32>} : memref<640xf32, #tpu.memory_space<vmem>>, vector<16xf32>,
    %swap3A_237 = vector.shape_cast %swap3A_236 : vector<16xf32> to vector<16xf32>
    %swap3A_238 = vector.shape_cast %broadcast_in_dim3A_234 : vector<16xf32> to vector<16xf32>
    tpu.vector_store %arg6[%swap3A_235], %swap3A_238 {strides = array<i32>} : memref<640xf32, #tpu.memory_space<vmem>>, vector<16xf32>,
    %broadcast_in_dim3A_239 = arith.constant 0.000000e+00 : f32
    %broadcast_in_dim3A_240 = vector.broadcast %broadcast_in_dim3A_239 : f32 to vector<16xf32>
    %swap3A_241 = arith.constant 560 : index
    %swap3A_242 = tpu.vector_load %arg6[%swap3A_241] {strides = array<i32>} : memref<640xf32, #tpu.memory_space<vmem>>, vector<16xf32>,
    %swap3A_243 = vector.shape_cast %swap3A_242 : vector<16xf32> to vector<16xf32>
    %swap3A_244 = vector.shape_cast %broadcast_in_dim3A_240 : vector<16xf32> to vector<16xf32>
    tpu.vector_store %arg6[%swap3A_241], %swap3A_244 {strides = array<i32>} : memref<640xf32, #tpu.memory_space<vmem>>, vector<16xf32>,
    %broadcast_in_dim3A_245 = arith.constant 0.000000e+00 : f32
    %broadcast_in_dim3A_246 = vector.broadcast %broadcast_in_dim3A_245 : f32 to vector<16xf32>
    %swap3A_247 = arith.constant 576 : index
    %swap3A_248 = tpu.vector_load %arg6[%swap3A_247] {strides = array<i32>} : memref<640xf32, #tpu.memory_space<vmem>>, vector<16xf32>,
    %swap3A_249 = vector.shape_cast %swap3A_248 : vector<16xf32> to vector<16xf32>
    %swap3A_250 = vector.shape_cast %broadcast_in_dim3A_246 : vector<16xf32> to vector<16xf32>
    tpu.vector_store %arg6[%swap3A_247], %swap3A_250 {strides = array<i32>} : memref<640xf32, #tpu.memory_space<vmem>>, vector<16xf32>,
    %broadcast_in_dim3A_251 = arith.constant 0.000000e+00 : f32
    %broadcast_in_dim3A_252 = vector.broadcast %broadcast_in_dim3A_251 : f32 to vector<16xf32>
    %swap3A_253 = arith.constant 592 : index
    %swap3A_254 = tpu.vector_load %arg6[%swap3A_253] {strides = array<i32>} : memref<640xf32, #tpu.memory_space<vmem>>, vector<16xf32>,
    %swap3A_255 = vector.shape_cast %swap3A_254 : vector<16xf32> to vector<16xf32>
    %swap3A_256 = vector.shape_cast %broadcast_in_dim3A_252 : vector<16xf32> to vector<16xf32>
    tpu.vector_store %arg6[%swap3A_253], %swap3A_256 {strides = array<i32>} : memref<640xf32, #tpu.memory_space<vmem>>, vector<16xf32>,
    %broadcast_in_dim3A_257 = arith.constant 0.000000e+00 : f32
    %broadcast_in_dim3A_258 = vector.broadcast %broadcast_in_dim3A_257 : f32 to vector<16xf32>
    %swap3A_259 = arith.constant 608 : index
    %swap3A_260 = tpu.vector_load %arg6[%swap3A_259] {strides = array<i32>} : memref<640xf32, #tpu.memory_space<vmem>>, vector<16xf32>,
    %swap3A_261 = vector.shape_cast %swap3A_260 : vector<16xf32> to vector<16xf32>
    %swap3A_262 = vector.shape_cast %broadcast_in_dim3A_258 : vector<16xf32> to vector<16xf32>
    tpu.vector_store %arg6[%swap3A_259], %swap3A_262 {strides = array<i32>} : memref<640xf32, #tpu.memory_space<vmem>>, vector<16xf32>,
    %broadcast_in_dim3A_263 = arith.constant 0.000000e+00 : f32
    %broadcast_in_dim3A_264 = vector.broadcast %broadcast_in_dim3A_263 : f32 to vector<16xf32>
    %swap3A_265 = arith.constant 624 : index
    %swap3A_266 = tpu.vector_load %arg6[%swap3A_265] {strides = array<i32>} : memref<640xf32, #tpu.memory_space<vmem>>, vector<16xf32>,
    %swap3A_267 = vector.shape_cast %swap3A_266 : vector<16xf32> to vector<16xf32>
    %swap3A_268 = vector.shape_cast %broadcast_in_dim3A_264 : vector<16xf32> to vector<16xf32>
    tpu.vector_store %arg6[%swap3A_265], %swap3A_268 {strides = array<i32>} : memref<640xf32, #tpu.memory_space<vmem>>, vector<16xf32>,
    %mul3A_269 = arith.constant 640 : i32
    %mul3A_270 = arith.muli %arg1, %mul3A_269 : i32
    "tpu.region"() ({
      %run_scoped3A = tpu.sem_alloc : memref<!tpu.dma_semaphore, #tpu.memory_space<semaphore_mem>>
      %dma_start3A = tpu.memref_slice %arg7[%mul3A_270] : memref<10240xf32, #tpu.memory_space<vmem_shared>> -> memref<640xf32, #tpu.memory_space<vmem_shared>>
      %dma_start3A_284 = tpu.memref_slice %arg7[%mul3A_270] : memref<10240xf32, #tpu.memory_space<vmem_shared>> -> memref<640xf32, #tpu.memory_space<vmem_shared>>
      tpu.enqueue_dma source(%arg6 : memref<640xf32, #tpu.memory_space<vmem>>) target(%dma_start3A_284 : memref<640xf32, #tpu.memory_space<vmem_shared>>) target_semaphore(%run_scoped3A : memref<!tpu.dma_semaphore, #tpu.memory_space<semaphore_mem>>)
      %dma_wait3A = tpu.memref_slice %arg7[%mul3A_270] : memref<10240xf32, #tpu.memory_space<vmem_shared>> -> memref<640xf32, #tpu.memory_space<vmem_shared>>
      %dma_wait3A_285 = tpu.memref_slice %arg7[%mul3A_270] : memref<10240xf32, #tpu.memory_space<vmem_shared>> -> memref<640xf32, #tpu.memory_space<vmem_shared>>
      tpu.wait_dma2 semaphore(%run_scoped3A : memref<!tpu.dma_semaphore, #tpu.memory_space<semaphore_mem>>) src(%arg6 : memref<640xf32, #tpu.memory_space<vmem>>) dst(%dma_wait3A_285 : memref<640xf32, #tpu.memory_space<vmem_shared>>)
      tpu.yield
    }) : () -> ()
    "tpu.region"() ({
      %run_scoped3A = tpu.sem_alloc : memref<!tpu.dma_semaphore, #tpu.memory_space<semaphore_mem>>
      %dma_start3A = arith.constant 0 : i32
      %dma_start3A_284 = arith.constant 0 : i32
      %dma_start3A_285 = tpu.memref_slice %arg2[%add3A, %dma_start3A, %dma_start3A_284] : memref<32x125x80xi32, #tpu.memory_space<hbm>> -> memref<1x125x80xi32, #tpu.memory_space<hbm>>
      %dma_start3A_286 = tpu.memref_squeeze %dma_start3A_285 : memref<1x125x80xi32, #tpu.memory_space<hbm>> -> memref<125x80xi32, #tpu.memory_space<hbm>>
      %dma_start3A_287 = arith.constant 0 : i32
      %dma_start3A_288 = arith.constant 0 : i32
      %dma_start3A_289 = tpu.memref_slice %arg2[%add3A, %dma_start3A_287, %dma_start3A_288] : memref<32x125x80xi32, #tpu.memory_space<hbm>> -> memref<1x125x80xi32, #tpu.memory_space<hbm>>
      %dma_start3A_290 = tpu.memref_squeeze %dma_start3A_289 : memref<1x125x80xi32, #tpu.memory_space<hbm>> -> memref<125x80xi32, #tpu.memory_space<hbm>>
      tpu.enqueue_dma source(%dma_start3A_290 : memref<125x80xi32, #tpu.memory_space<hbm>>) target(%arg4 : memref<125x80xi32, #tpu.memory_space<vmem>>) target_semaphore(%run_scoped3A : memref<!tpu.dma_semaphore, #tpu.memory_space<semaphore_mem>>)
      %dma_wait3A = arith.constant 0 : i32
      %dma_wait3A_291 = arith.constant 0 : i32
      %dma_wait3A_292 = tpu.memref_slice %arg2[%add3A, %dma_wait3A, %dma_wait3A_291] : memref<32x125x80xi32, #tpu.memory_space<hbm>> -> memref<1x125x80xi32, #tpu.memory_space<hbm>>
      %dma_wait3A_293 = tpu.memref_squeeze %dma_wait3A_292 : memref<1x125x80xi32, #tpu.memory_space<hbm>> -> memref<125x80xi32, #tpu.memory_space<hbm>>
      %dma_wait3A_294 = arith.constant 0 : i32
      %dma_wait3A_295 = arith.constant 0 : i32
      %dma_wait3A_296 = tpu.memref_slice %arg2[%add3A, %dma_wait3A_294, %dma_wait3A_295] : memref<32x125x80xi32, #tpu.memory_space<hbm>> -> memref<1x125x80xi32, #tpu.memory_space<hbm>>
      %dma_wait3A_297 = tpu.memref_squeeze %dma_wait3A_296 : memref<1x125x80xi32, #tpu.memory_space<hbm>> -> memref<125x80xi32, #tpu.memory_space<hbm>>
      tpu.wait_dma2 semaphore(%run_scoped3A : memref<!tpu.dma_semaphore, #tpu.memory_space<semaphore_mem>>) src(%dma_wait3A_297 : memref<125x80xi32, #tpu.memory_space<hbm>>) dst(%arg4 : memref<125x80xi32, #tpu.memory_space<vmem>>)
      tpu.yield
    }) : () -> ()
    %barrier3A = arith.constant 0 : index
    tpu.barrier barrier_id(%barrier3A)
    %scan3A = arith.constant 0 : i32
    %scan3A_271 = arith.constant 0 : i32
    %scan3A_272 = arith.constant 125 : i32
    %scan3A_273 = arith.addi %scan3A_271, %scan3A_272 : i32
    %scan3A_274 = arith.constant 1 : i32
    scf.for %scan3A_284 = %scan3A_271 to %scan3A_273 step %scan3A_274  : i32 {
      "tpu.region"() ({
        %run_scoped3A = tpu.sem_alloc : memref<!tpu.dma_semaphore, #tpu.memory_space<semaphore_mem>>
        %dma_start3A = arith.constant 0 : i32
        %dma_start3A_285 = tpu.memref_slice %arg4[%scan3A_284, %dma_start3A] : memref<125x80xi32, #tpu.memory_space<vmem>> -> memref<1x80xi32, #tpu.memory_space<vmem>>
        %dma_start3A_286 = tpu.memref_squeeze %dma_start3A_285 : memref<1x80xi32, #tpu.memory_space<vmem>> -> memref<80xi32, #tpu.memory_space<vmem>>
        %dma_start3A_287 = arith.constant 0 : i32
        %dma_start3A_288 = tpu.memref_slice %arg7[%dma_start3A_287] : memref<10240xf32, #tpu.memory_space<vmem_shared>> -> memref<10240xf32, #tpu.memory_space<vmem_shared>>
        tpu.enqueue_indirect_dma source(%arg5 : memref<80xf32, #tpu.memory_space<vmem>>) target(%dma_start3A_288 : memref<10240xf32, #tpu.memory_space<vmem_shared>>) offsets(%dma_start3A_286 : memref<80xi32, #tpu.memory_space<vmem>>) semaphore(%run_scoped3A : memref<!tpu.dma_semaphore, #tpu.memory_space<semaphore_mem>>) {add = true}
        %dma_wait3A = arith.constant 0 : i32
        %dma_wait3A_289 = tpu.memref_slice %arg4[%scan3A_284, %dma_wait3A] : memref<125x80xi32, #tpu.memory_space<vmem>> -> memref<1x80xi32, #tpu.memory_space<vmem>>
        %dma_wait3A_290 = tpu.memref_squeeze %dma_wait3A_289 : memref<1x80xi32, #tpu.memory_space<vmem>> -> memref<80xi32, #tpu.memory_space<vmem>>
        %dma_wait3A_291 = arith.constant 0 : i32
        %dma_wait3A_292 = tpu.memref_slice %arg7[%dma_wait3A_291] : memref<10240xf32, #tpu.memory_space<vmem_shared>> -> memref<10240xf32, #tpu.memory_space<vmem_shared>>
        tpu.wait_indirect_dma semaphore(%run_scoped3A : memref<!tpu.dma_semaphore, #tpu.memory_space<semaphore_mem>>) src(%arg5 : memref<80xf32, #tpu.memory_space<vmem>>) dst(%dma_wait3A_292 : memref<10240xf32, #tpu.memory_space<vmem_shared>>)
        tpu.yield
      }) : () -> ()
    }
    %scan3A_275 = arith.constant 125 : i32
    %barrier3A_276 = arith.constant 0 : index
    tpu.barrier barrier_id(%barrier3A_276)
    %mul3A_277 = arith.constant 640 : i32
    %mul3A_278 = arith.muli %arg1, %mul3A_277 : i32
    %mul3A_279 = arith.constant 10240 : i32
    %mul3A_280 = arith.muli %arg0, %mul3A_279 : i32
    %mul3A_281 = arith.constant 640 : i32
    %mul3A_282 = arith.muli %arg1, %mul3A_281 : i32
    %add3A_283 = arith.addi %mul3A_280, %mul3A_282 : i32
    "tpu.region"() ({
      %run_scoped3A = tpu.sem_alloc : memref<!tpu.dma_semaphore, #tpu.memory_space<semaphore_mem>>
      %dma_start3A = tpu.memref_slice %arg3[%add3A_283] : memref<20480xf32, #tpu.memory_space<hbm>> -> memref<640xf32, #tpu.memory_space<hbm>>
      %dma_start3A_284 = tpu.memref_slice %arg7[%mul3A_278] : memref<10240xf32, #tpu.memory_space<vmem_shared>> -> memref<640xf32, #tpu.memory_space<vmem_shared>>
      tpu.enqueue_dma source(%dma_start3A_284 : memref<640xf32, #tpu.memory_space<vmem_shared>>) target(%dma_start3A : memref<640xf32, #tpu.memory_space<hbm>>) target_semaphore(%run_scoped3A : memref<!tpu.dma_semaphore, #tpu.memory_space<semaphore_mem>>)
      %dma_wait3A = tpu.memref_slice %arg3[%add3A_283] : memref<20480xf32, #tpu.memory_space<hbm>> -> memref<640xf32, #tpu.memory_space<hbm>>
      %dma_wait3A_285 = tpu.memref_slice %arg7[%mul3A_278] : memref<10240xf32, #tpu.memory_space<vmem_shared>> -> memref<640xf32, #tpu.memory_space<vmem_shared>>
      tpu.wait_dma2 semaphore(%run_scoped3A : memref<!tpu.dma_semaphore, #tpu.memory_space<semaphore_mem>>) src(%dma_wait3A_285 : memref<640xf32, #tpu.memory_space<vmem_shared>>) dst(%dma_wait3A : memref<640xf32, #tpu.memory_space<hbm>>)
      tpu.yield
    }) : () -> ()
    return
  }
}

#map = affine_map<(d0, d1) -> (0, 0)>
#map1 = affine_map<(d0, d1) -> (0, 0, 0)>
module attributes {stable_mosaic.version = 14 : i64} {
  func.func @_msg_kernel(%arg0: i32, %arg1: i32, %arg2: memref<20000x64xf32, #tpu.memory_space<hbm>>, %arg3: memref<16x250x80xi32, #tpu.memory_space<hbm>>, %arg4: memref<16x250x80xi32, #tpu.memory_space<hbm>>, %arg5: memref<12800x128xf32, #tpu.memory_space<hbm>>, %arg6: memref<250x80xi32, #tpu.memory_space<vmem>>, %arg7: memref<250x80xi32, #tpu.memory_space<vmem>>, %arg8: memref<2x80x64xf32, #tpu.memory_space<vmem>>, %arg9: memref<160x64xf32, #tpu.memory_space<vmem>>, %arg10: memref<12800x64xf32, #tpu.memory_space<vmem_shared>>, %arg11: memref<!tpu.dma_semaphore, #tpu.memory_space<semaphore_mem>>, %arg12: memref<!tpu.dma_semaphore, #tpu.memory_space<semaphore_mem>>, %arg13: memref<!tpu.dma_semaphore, #tpu.memory_space<semaphore_mem>>, %arg14: memref<!tpu.dma_semaphore, #tpu.memory_space<semaphore_mem>>) attributes {dimension_semantics = [#tpu.dimension_semantics<core_parallel>, #tpu.dimension_semantics<subcore_parallel>], iteration_bounds = array<i64: 2, 16>, scalar_prefetch = 0 : i64, scratch_operands = 9 : i64, tpu.core_type = #tpu.core_type<sc_vector_subcore>, window_params = [{transform_indices = #map}, {transform_indices = #map1}, {transform_indices = #map1}, {transform_indices = #map}]} {
    %scan3A = arith.constant 0 : i32
    %scan3A_0 = arith.constant 0 : i32
    %scan3A_1 = arith.constant 160 : i32
    %scan3A_2 = arith.addi %scan3A_0, %scan3A_1 : i32
    %scan3A_3 = arith.constant 1 : i32
    scf.for %scan3A_135 = %scan3A_0 to %scan3A_2 step %scan3A_3  : i32 {
      %broadcast_in_dim3A_136 = arith.constant 0.000000e+00 : f32
      %broadcast_in_dim3A_137 = vector.broadcast %broadcast_in_dim3A_136 : f32 to vector<16xf32>
      %swap3A = arith.index_cast %scan3A_135 : i32 to index
      %swap3A_138 = arith.constant 0 : index
      %swap3A_139 = tpu.vector_load %arg9[%swap3A, %swap3A_138] {strides = array<i32>} : memref<160x64xf32, #tpu.memory_space<vmem>>, vector<1x16xf32>,
      %swap3A_140 = vector.shape_cast %swap3A_139 : vector<1x16xf32> to vector<16xf32>
      %swap3A_141 = vector.shape_cast %broadcast_in_dim3A_137 : vector<16xf32> to vector<1x16xf32>
      tpu.vector_store %arg9[%swap3A, %swap3A_138], %swap3A_141 {strides = array<i32>} : memref<160x64xf32, #tpu.memory_space<vmem>>, vector<1x16xf32>,
      %broadcast_in_dim3A_142 = arith.constant 0.000000e+00 : f32
      %broadcast_in_dim3A_143 = vector.broadcast %broadcast_in_dim3A_142 : f32 to vector<16xf32>
      %swap3A_144 = arith.index_cast %scan3A_135 : i32 to index
      %swap3A_145 = arith.constant 16 : index
      %swap3A_146 = tpu.vector_load %arg9[%swap3A_144, %swap3A_145] {strides = array<i32>} : memref<160x64xf32, #tpu.memory_space<vmem>>, vector<1x16xf32>,
      %swap3A_147 = vector.shape_cast %swap3A_146 : vector<1x16xf32> to vector<16xf32>
      %swap3A_148 = vector.shape_cast %broadcast_in_dim3A_143 : vector<16xf32> to vector<1x16xf32>
      tpu.vector_store %arg9[%swap3A_144, %swap3A_145], %swap3A_148 {strides = array<i32>} : memref<160x64xf32, #tpu.memory_space<vmem>>, vector<1x16xf32>,
      %broadcast_in_dim3A_149 = arith.constant 0.000000e+00 : f32
      %broadcast_in_dim3A_150 = vector.broadcast %broadcast_in_dim3A_149 : f32 to vector<16xf32>
      %swap3A_151 = arith.index_cast %scan3A_135 : i32 to index
      %swap3A_152 = arith.constant 32 : index
      %swap3A_153 = tpu.vector_load %arg9[%swap3A_151, %swap3A_152] {strides = array<i32>} : memref<160x64xf32, #tpu.memory_space<vmem>>, vector<1x16xf32>,
      %swap3A_154 = vector.shape_cast %swap3A_153 : vector<1x16xf32> to vector<16xf32>
      %swap3A_155 = vector.shape_cast %broadcast_in_dim3A_150 : vector<16xf32> to vector<1x16xf32>
      tpu.vector_store %arg9[%swap3A_151, %swap3A_152], %swap3A_155 {strides = array<i32>} : memref<160x64xf32, #tpu.memory_space<vmem>>, vector<1x16xf32>,
      %broadcast_in_dim3A_156 = arith.constant 0.000000e+00 : f32
      %broadcast_in_dim3A_157 = vector.broadcast %broadcast_in_dim3A_156 : f32 to vector<16xf32>
      %swap3A_158 = arith.index_cast %scan3A_135 : i32 to index
      %swap3A_159 = arith.constant 48 : index
      %swap3A_160 = tpu.vector_load %arg9[%swap3A_158, %swap3A_159] {strides = array<i32>} : memref<160x64xf32, #tpu.memory_space<vmem>>, vector<1x16xf32>,
      %swap3A_161 = vector.shape_cast %swap3A_160 : vector<1x16xf32> to vector<16xf32>
      %swap3A_162 = vector.shape_cast %broadcast_in_dim3A_157 : vector<16xf32> to vector<1x16xf32>
      tpu.vector_store %arg9[%swap3A_158, %swap3A_159], %swap3A_162 {strides = array<i32>} : memref<160x64xf32, #tpu.memory_space<vmem>>, vector<1x16xf32>,
    }
    %scan3A_4 = arith.constant 160 : i32
    %mul3A = arith.constant 800 : i32
    %mul3A_5 = arith.muli %arg1, %mul3A : i32
    %add3A = arith.constant 0 : i32
    %add3A_6 = arith.addi %mul3A_5, %add3A : i32
    "tpu.region"() ({
      %run_scoped3A = tpu.sem_alloc : memref<!tpu.dma_semaphore, #tpu.memory_space<semaphore_mem>>
      %dma_start3A_135 = arith.constant 0 : i32
      %dma_start3A_136 = tpu.memref_slice %arg10[%add3A_6, %dma_start3A_135] : memref<12800x64xf32, #tpu.memory_space<vmem_shared>> -> memref<160x64xf32, #tpu.memory_space<vmem_shared>>
      %dma_start3A_137 = arith.constant 0 : i32
      %dma_start3A_138 = tpu.memref_slice %arg10[%add3A_6, %dma_start3A_137] : memref<12800x64xf32, #tpu.memory_space<vmem_shared>> -> memref<160x64xf32, #tpu.memory_space<vmem_shared>>
      tpu.enqueue_dma source(%arg9 : memref<160x64xf32, #tpu.memory_space<vmem>>) target(%dma_start3A_138 : memref<160x64xf32, #tpu.memory_space<vmem_shared>>) target_semaphore(%run_scoped3A : memref<!tpu.dma_semaphore, #tpu.memory_space<semaphore_mem>>)
      %dma_wait3A_139 = arith.constant 0 : i32
      %dma_wait3A_140 = tpu.memref_slice %arg10[%add3A_6, %dma_wait3A_139] : memref<12800x64xf32, #tpu.memory_space<vmem_shared>> -> memref<160x64xf32, #tpu.memory_space<vmem_shared>>
      %dma_wait3A_141 = arith.constant 0 : i32
      %dma_wait3A_142 = tpu.memref_slice %arg10[%add3A_6, %dma_wait3A_141] : memref<12800x64xf32, #tpu.memory_space<vmem_shared>> -> memref<160x64xf32, #tpu.memory_space<vmem_shared>>
      tpu.wait_dma2 semaphore(%run_scoped3A : memref<!tpu.dma_semaphore, #tpu.memory_space<semaphore_mem>>) src(%arg9 : memref<160x64xf32, #tpu.memory_space<vmem>>) dst(%dma_wait3A_142 : memref<160x64xf32, #tpu.memory_space<vmem_shared>>)
      tpu.yield
    }) : () -> ()
    %mul3A_7 = arith.constant 800 : i32
    %mul3A_8 = arith.muli %arg1, %mul3A_7 : i32
    %add3A_9 = arith.constant 160 : i32
    %add3A_10 = arith.addi %mul3A_8, %add3A_9 : i32
    "tpu.region"() ({
      %run_scoped3A = tpu.sem_alloc : memref<!tpu.dma_semaphore, #tpu.memory_space<semaphore_mem>>
      %dma_start3A_135 = arith.constant 0 : i32
      %dma_start3A_136 = tpu.memref_slice %arg10[%add3A_10, %dma_start3A_135] : memref<12800x64xf32, #tpu.memory_space<vmem_shared>> -> memref<160x64xf32, #tpu.memory_space<vmem_shared>>
      %dma_start3A_137 = arith.constant 0 : i32
      %dma_start3A_138 = tpu.memref_slice %arg10[%add3A_10, %dma_start3A_137] : memref<12800x64xf32, #tpu.memory_space<vmem_shared>> -> memref<160x64xf32, #tpu.memory_space<vmem_shared>>
      tpu.enqueue_dma source(%arg9 : memref<160x64xf32, #tpu.memory_space<vmem>>) target(%dma_start3A_138 : memref<160x64xf32, #tpu.memory_space<vmem_shared>>) target_semaphore(%run_scoped3A : memref<!tpu.dma_semaphore, #tpu.memory_space<semaphore_mem>>)
      %dma_wait3A_139 = arith.constant 0 : i32
      %dma_wait3A_140 = tpu.memref_slice %arg10[%add3A_10, %dma_wait3A_139] : memref<12800x64xf32, #tpu.memory_space<vmem_shared>> -> memref<160x64xf32, #tpu.memory_space<vmem_shared>>
      %dma_wait3A_141 = arith.constant 0 : i32
      %dma_wait3A_142 = tpu.memref_slice %arg10[%add3A_10, %dma_wait3A_141] : memref<12800x64xf32, #tpu.memory_space<vmem_shared>> -> memref<160x64xf32, #tpu.memory_space<vmem_shared>>
      tpu.wait_dma2 semaphore(%run_scoped3A : memref<!tpu.dma_semaphore, #tpu.memory_space<semaphore_mem>>) src(%arg9 : memref<160x64xf32, #tpu.memory_space<vmem>>) dst(%dma_wait3A_142 : memref<160x64xf32, #tpu.memory_space<vmem_shared>>)
      tpu.yield
    }) : () -> ()
    %mul3A_11 = arith.constant 800 : i32
    %mul3A_12 = arith.muli %arg1, %mul3A_11 : i32
    %add3A_13 = arith.constant 320 : i32
    %add3A_14 = arith.addi %mul3A_12, %add3A_13 : i32
    "tpu.region"() ({
      %run_scoped3A = tpu.sem_alloc : memref<!tpu.dma_semaphore, #tpu.memory_space<semaphore_mem>>
      %dma_start3A_135 = arith.constant 0 : i32
      %dma_start3A_136 = tpu.memref_slice %arg10[%add3A_14, %dma_start3A_135] : memref<12800x64xf32, #tpu.memory_space<vmem_shared>> -> memref<160x64xf32, #tpu.memory_space<vmem_shared>>
      %dma_start3A_137 = arith.constant 0 : i32
      %dma_start3A_138 = tpu.memref_slice %arg10[%add3A_14, %dma_start3A_137] : memref<12800x64xf32, #tpu.memory_space<vmem_shared>> -> memref<160x64xf32, #tpu.memory_space<vmem_shared>>
      tpu.enqueue_dma source(%arg9 : memref<160x64xf32, #tpu.memory_space<vmem>>) target(%dma_start3A_138 : memref<160x64xf32, #tpu.memory_space<vmem_shared>>) target_semaphore(%run_scoped3A : memref<!tpu.dma_semaphore, #tpu.memory_space<semaphore_mem>>)
      %dma_wait3A_139 = arith.constant 0 : i32
      %dma_wait3A_140 = tpu.memref_slice %arg10[%add3A_14, %dma_wait3A_139] : memref<12800x64xf32, #tpu.memory_space<vmem_shared>> -> memref<160x64xf32, #tpu.memory_space<vmem_shared>>
      %dma_wait3A_141 = arith.constant 0 : i32
      %dma_wait3A_142 = tpu.memref_slice %arg10[%add3A_14, %dma_wait3A_141] : memref<12800x64xf32, #tpu.memory_space<vmem_shared>> -> memref<160x64xf32, #tpu.memory_space<vmem_shared>>
      tpu.wait_dma2 semaphore(%run_scoped3A : memref<!tpu.dma_semaphore, #tpu.memory_space<semaphore_mem>>) src(%arg9 : memref<160x64xf32, #tpu.memory_space<vmem>>) dst(%dma_wait3A_142 : memref<160x64xf32, #tpu.memory_space<vmem_shared>>)
      tpu.yield
    }) : () -> ()
    %mul3A_15 = arith.constant 800 : i32
    %mul3A_16 = arith.muli %arg1, %mul3A_15 : i32
    %add3A_17 = arith.constant 480 : i32
    %add3A_18 = arith.addi %mul3A_16, %add3A_17 : i32
    "tpu.region"() ({
      %run_scoped3A = tpu.sem_alloc : memref<!tpu.dma_semaphore, #tpu.memory_space<semaphore_mem>>
      %dma_start3A_135 = arith.constant 0 : i32
      %dma_start3A_136 = tpu.memref_slice %arg10[%add3A_18, %dma_start3A_135] : memref<12800x64xf32, #tpu.memory_space<vmem_shared>> -> memref<160x64xf32, #tpu.memory_space<vmem_shared>>
      %dma_start3A_137 = arith.constant 0 : i32
      %dma_start3A_138 = tpu.memref_slice %arg10[%add3A_18, %dma_start3A_137] : memref<12800x64xf32, #tpu.memory_space<vmem_shared>> -> memref<160x64xf32, #tpu.memory_space<vmem_shared>>
      tpu.enqueue_dma source(%arg9 : memref<160x64xf32, #tpu.memory_space<vmem>>) target(%dma_start3A_138 : memref<160x64xf32, #tpu.memory_space<vmem_shared>>) target_semaphore(%run_scoped3A : memref<!tpu.dma_semaphore, #tpu.memory_space<semaphore_mem>>)
      %dma_wait3A_139 = arith.constant 0 : i32
      %dma_wait3A_140 = tpu.memref_slice %arg10[%add3A_18, %dma_wait3A_139] : memref<12800x64xf32, #tpu.memory_space<vmem_shared>> -> memref<160x64xf32, #tpu.memory_space<vmem_shared>>
      %dma_wait3A_141 = arith.constant 0 : i32
      %dma_wait3A_142 = tpu.memref_slice %arg10[%add3A_18, %dma_wait3A_141] : memref<12800x64xf32, #tpu.memory_space<vmem_shared>> -> memref<160x64xf32, #tpu.memory_space<vmem_shared>>
      tpu.wait_dma2 semaphore(%run_scoped3A : memref<!tpu.dma_semaphore, #tpu.memory_space<semaphore_mem>>) src(%arg9 : memref<160x64xf32, #tpu.memory_space<vmem>>) dst(%dma_wait3A_142 : memref<160x64xf32, #tpu.memory_space<vmem_shared>>)
      tpu.yield
    }) : () -> ()
    %mul3A_19 = arith.constant 800 : i32
    %mul3A_20 = arith.muli %arg1, %mul3A_19 : i32
    %add3A_21 = arith.constant 640 : i32
    %add3A_22 = arith.addi %mul3A_20, %add3A_21 : i32
    "tpu.region"() ({
      %run_scoped3A = tpu.sem_alloc : memref<!tpu.dma_semaphore, #tpu.memory_space<semaphore_mem>>
      %dma_start3A_135 = arith.constant 0 : i32
      %dma_start3A_136 = tpu.memref_slice %arg10[%add3A_22, %dma_start3A_135] : memref<12800x64xf32, #tpu.memory_space<vmem_shared>> -> memref<160x64xf32, #tpu.memory_space<vmem_shared>>
      %dma_start3A_137 = arith.constant 0 : i32
      %dma_start3A_138 = tpu.memref_slice %arg10[%add3A_22, %dma_start3A_137] : memref<12800x64xf32, #tpu.memory_space<vmem_shared>> -> memref<160x64xf32, #tpu.memory_space<vmem_shared>>
      tpu.enqueue_dma source(%arg9 : memref<160x64xf32, #tpu.memory_space<vmem>>) target(%dma_start3A_138 : memref<160x64xf32, #tpu.memory_space<vmem_shared>>) target_semaphore(%run_scoped3A : memref<!tpu.dma_semaphore, #tpu.memory_space<semaphore_mem>>)
      %dma_wait3A_139 = arith.constant 0 : i32
      %dma_wait3A_140 = tpu.memref_slice %arg10[%add3A_22, %dma_wait3A_139] : memref<12800x64xf32, #tpu.memory_space<vmem_shared>> -> memref<160x64xf32, #tpu.memory_space<vmem_shared>>
      %dma_wait3A_141 = arith.constant 0 : i32
      %dma_wait3A_142 = tpu.memref_slice %arg10[%add3A_22, %dma_wait3A_141] : memref<12800x64xf32, #tpu.memory_space<vmem_shared>> -> memref<160x64xf32, #tpu.memory_space<vmem_shared>>
      tpu.wait_dma2 semaphore(%run_scoped3A : memref<!tpu.dma_semaphore, #tpu.memory_space<semaphore_mem>>) src(%arg9 : memref<160x64xf32, #tpu.memory_space<vmem>>) dst(%dma_wait3A_142 : memref<160x64xf32, #tpu.memory_space<vmem_shared>>)
      tpu.yield
    }) : () -> ()
    "tpu.region"() ({
      %run_scoped3A = tpu.sem_alloc : memref<!tpu.dma_semaphore, #tpu.memory_space<semaphore_mem>>
      %dma_start3A_135 = arith.constant 0 : i32
      %dma_start3A_136 = arith.constant 0 : i32
      %dma_start3A_137 = tpu.memref_slice %arg3[%arg1, %dma_start3A_135, %dma_start3A_136] : memref<16x250x80xi32, #tpu.memory_space<hbm>> -> memref<1x250x80xi32, #tpu.memory_space<hbm>>
      %dma_start3A_138 = tpu.memref_squeeze %dma_start3A_137 : memref<1x250x80xi32, #tpu.memory_space<hbm>> -> memref<250x80xi32, #tpu.memory_space<hbm>>
      %dma_start3A_139 = arith.constant 0 : i32
      %dma_start3A_140 = arith.constant 0 : i32
      %dma_start3A_141 = tpu.memref_slice %arg3[%arg1, %dma_start3A_139, %dma_start3A_140] : memref<16x250x80xi32, #tpu.memory_space<hbm>> -> memref<1x250x80xi32, #tpu.memory_space<hbm>>
      %dma_start3A_142 = tpu.memref_squeeze %dma_start3A_141 : memref<1x250x80xi32, #tpu.memory_space<hbm>> -> memref<250x80xi32, #tpu.memory_space<hbm>>
      tpu.enqueue_dma source(%dma_start3A_142 : memref<250x80xi32, #tpu.memory_space<hbm>>) target(%arg6 : memref<250x80xi32, #tpu.memory_space<vmem>>) target_semaphore(%run_scoped3A : memref<!tpu.dma_semaphore, #tpu.memory_space<semaphore_mem>>)
      %dma_wait3A_143 = arith.constant 0 : i32
      %dma_wait3A_144 = arith.constant 0 : i32
      %dma_wait3A_145 = tpu.memref_slice %arg3[%arg1, %dma_wait3A_143, %dma_wait3A_144] : memref<16x250x80xi32, #tpu.memory_space<hbm>> -> memref<1x250x80xi32, #tpu.memory_space<hbm>>
      %dma_wait3A_146 = tpu.memref_squeeze %dma_wait3A_145 : memref<1x250x80xi32, #tpu.memory_space<hbm>> -> memref<250x80xi32, #tpu.memory_space<hbm>>
      %dma_wait3A_147 = arith.constant 0 : i32
      %dma_wait3A_148 = arith.constant 0 : i32
      %dma_wait3A_149 = tpu.memref_slice %arg3[%arg1, %dma_wait3A_147, %dma_wait3A_148] : memref<16x250x80xi32, #tpu.memory_space<hbm>> -> memref<1x250x80xi32, #tpu.memory_space<hbm>>
      %dma_wait3A_150 = tpu.memref_squeeze %dma_wait3A_149 : memref<1x250x80xi32, #tpu.memory_space<hbm>> -> memref<250x80xi32, #tpu.memory_space<hbm>>
      tpu.wait_dma2 semaphore(%run_scoped3A : memref<!tpu.dma_semaphore, #tpu.memory_space<semaphore_mem>>) src(%dma_wait3A_150 : memref<250x80xi32, #tpu.memory_space<hbm>>) dst(%arg6 : memref<250x80xi32, #tpu.memory_space<vmem>>)
      tpu.yield
    }) : () -> ()
    "tpu.region"() ({
      %run_scoped3A = tpu.sem_alloc : memref<!tpu.dma_semaphore, #tpu.memory_space<semaphore_mem>>
      %dma_start3A_135 = arith.constant 0 : i32
      %dma_start3A_136 = arith.constant 0 : i32
      %dma_start3A_137 = tpu.memref_slice %arg4[%arg1, %dma_start3A_135, %dma_start3A_136] : memref<16x250x80xi32, #tpu.memory_space<hbm>> -> memref<1x250x80xi32, #tpu.memory_space<hbm>>
      %dma_start3A_138 = tpu.memref_squeeze %dma_start3A_137 : memref<1x250x80xi32, #tpu.memory_space<hbm>> -> memref<250x80xi32, #tpu.memory_space<hbm>>
      %dma_start3A_139 = arith.constant 0 : i32
      %dma_start3A_140 = arith.constant 0 : i32
      %dma_start3A_141 = tpu.memref_slice %arg4[%arg1, %dma_start3A_139, %dma_start3A_140] : memref<16x250x80xi32, #tpu.memory_space<hbm>> -> memref<1x250x80xi32, #tpu.memory_space<hbm>>
      %dma_start3A_142 = tpu.memref_squeeze %dma_start3A_141 : memref<1x250x80xi32, #tpu.memory_space<hbm>> -> memref<250x80xi32, #tpu.memory_space<hbm>>
      tpu.enqueue_dma source(%dma_start3A_142 : memref<250x80xi32, #tpu.memory_space<hbm>>) target(%arg7 : memref<250x80xi32, #tpu.memory_space<vmem>>) target_semaphore(%run_scoped3A : memref<!tpu.dma_semaphore, #tpu.memory_space<semaphore_mem>>)
      %dma_wait3A_143 = arith.constant 0 : i32
      %dma_wait3A_144 = arith.constant 0 : i32
      %dma_wait3A_145 = tpu.memref_slice %arg4[%arg1, %dma_wait3A_143, %dma_wait3A_144] : memref<16x250x80xi32, #tpu.memory_space<hbm>> -> memref<1x250x80xi32, #tpu.memory_space<hbm>>
      %dma_wait3A_146 = tpu.memref_squeeze %dma_wait3A_145 : memref<1x250x80xi32, #tpu.memory_space<hbm>> -> memref<250x80xi32, #tpu.memory_space<hbm>>
      %dma_wait3A_147 = arith.constant 0 : i32
      %dma_wait3A_148 = arith.constant 0 : i32
      %dma_wait3A_149 = tpu.memref_slice %arg4[%arg1, %dma_wait3A_147, %dma_wait3A_148] : memref<16x250x80xi32, #tpu.memory_space<hbm>> -> memref<1x250x80xi32, #tpu.memory_space<hbm>>
      %dma_wait3A_150 = tpu.memref_squeeze %dma_wait3A_149 : memref<1x250x80xi32, #tpu.memory_space<hbm>> -> memref<250x80xi32, #tpu.memory_space<hbm>>
      tpu.wait_dma2 semaphore(%run_scoped3A : memref<!tpu.dma_semaphore, #tpu.memory_space<semaphore_mem>>) src(%dma_wait3A_150 : memref<250x80xi32, #tpu.memory_space<hbm>>) dst(%arg7 : memref<250x80xi32, #tpu.memory_space<vmem>>)
      tpu.yield
    }) : () -> ()
    %broadcast_in_dim3A = arith.constant 0 : i32
    %broadcast_in_dim3A_23 = vector.broadcast %broadcast_in_dim3A : i32 to vector<16xi32>
    %add3A_24 = vector.broadcast %arg0 : i32 to vector<16xi32>
    %add3A_25 = arith.addi %broadcast_in_dim3A_23, %add3A_24 : vector<16xi32>
    %scan3A_26 = arith.constant 0 : i32
    %scan3A_27 = arith.constant 0 : i32
    %scan3A_28 = arith.constant 250 : i32
    %scan3A_29 = arith.addi %scan3A_27, %scan3A_28 : i32
    %scan3A_30 = arith.constant 1 : i32
    scf.for %scan3A_135 = %scan3A_27 to %scan3A_29 step %scan3A_30  : i32 {
      %get3A = arith.index_cast %scan3A_135 : i32 to index
      %get3A_136 = arith.constant 0 : index
      %get3A_137 = tpu.vector_load %arg6[%get3A, %get3A_136] {strides = array<i32>} : memref<250x80xi32, #tpu.memory_space<vmem>>, vector<1x16xi32>,
      %get3A_138 = vector.shape_cast %get3A_137 : vector<1x16xi32> to vector<16xi32>
      %mul3A_139 = arith.constant 2 : i32
      %mul3A_140 = vector.broadcast %mul3A_139 : i32 to vector<16xi32>
      %mul3A_141 = arith.muli %get3A_138, %mul3A_140 : vector<16xi32>
      %add3A_142 = arith.addi %mul3A_141, %add3A_25 : vector<16xi32>
      %swap3A = arith.index_cast %scan3A_135 : i32 to index
      %swap3A_143 = arith.constant 0 : index
      %swap3A_144 = tpu.vector_load %arg6[%swap3A, %swap3A_143] {strides = array<i32>} : memref<250x80xi32, #tpu.memory_space<vmem>>, vector<1x16xi32>,
      %swap3A_145 = vector.shape_cast %swap3A_144 : vector<1x16xi32> to vector<16xi32>
      %swap3A_146 = vector.shape_cast %add3A_142 : vector<16xi32> to vector<1x16xi32>
      tpu.vector_store %arg6[%swap3A, %swap3A_143], %swap3A_146 {strides = array<i32>} : memref<250x80xi32, #tpu.memory_space<vmem>>, vector<1x16xi32>,
      %get3A_147 = arith.index_cast %scan3A_135 : i32 to index
      %get3A_148 = arith.constant 16 : index
      %get3A_149 = tpu.vector_load %arg6[%get3A_147, %get3A_148] {strides = array<i32>} : memref<250x80xi32, #tpu.memory_space<vmem>>, vector<1x16xi32>,
      %get3A_150 = vector.shape_cast %get3A_149 : vector<1x16xi32> to vector<16xi32>
      %mul3A_151 = arith.constant 2 : i32
      %mul3A_152 = vector.broadcast %mul3A_151 : i32 to vector<16xi32>
      %mul3A_153 = arith.muli %get3A_150, %mul3A_152 : vector<16xi32>
      %add3A_154 = arith.addi %mul3A_153, %add3A_25 : vector<16xi32>
      %swap3A_155 = arith.index_cast %scan3A_135 : i32 to index
      %swap3A_156 = arith.constant 16 : index
      %swap3A_157 = tpu.vector_load %arg6[%swap3A_155, %swap3A_156] {strides = array<i32>} : memref<250x80xi32, #tpu.memory_space<vmem>>, vector<1x16xi32>,
      %swap3A_158 = vector.shape_cast %swap3A_157 : vector<1x16xi32> to vector<16xi32>
      %swap3A_159 = vector.shape_cast %add3A_154 : vector<16xi32> to vector<1x16xi32>
      tpu.vector_store %arg6[%swap3A_155, %swap3A_156], %swap3A_159 {strides = array<i32>} : memref<250x80xi32, #tpu.memory_space<vmem>>, vector<1x16xi32>,
      %get3A_160 = arith.index_cast %scan3A_135 : i32 to index
      %get3A_161 = arith.constant 32 : index
      %get3A_162 = tpu.vector_load %arg6[%get3A_160, %get3A_161] {strides = array<i32>} : memref<250x80xi32, #tpu.memory_space<vmem>>, vector<1x16xi32>,
      %get3A_163 = vector.shape_cast %get3A_162 : vector<1x16xi32> to vector<16xi32>
      %mul3A_164 = arith.constant 2 : i32
      %mul3A_165 = vector.broadcast %mul3A_164 : i32 to vector<16xi32>
      %mul3A_166 = arith.muli %get3A_163, %mul3A_165 : vector<16xi32>
      %add3A_167 = arith.addi %mul3A_166, %add3A_25 : vector<16xi32>
      %swap3A_168 = arith.index_cast %scan3A_135 : i32 to index
      %swap3A_169 = arith.constant 32 : index
      %swap3A_170 = tpu.vector_load %arg6[%swap3A_168, %swap3A_169] {strides = array<i32>} : memref<250x80xi32, #tpu.memory_space<vmem>>, vector<1x16xi32>,
      %swap3A_171 = vector.shape_cast %swap3A_170 : vector<1x16xi32> to vector<16xi32>
      %swap3A_172 = vector.shape_cast %add3A_167 : vector<16xi32> to vector<1x16xi32>
      tpu.vector_store %arg6[%swap3A_168, %swap3A_169], %swap3A_172 {strides = array<i32>} : memref<250x80xi32, #tpu.memory_space<vmem>>, vector<1x16xi32>,
      %get3A_173 = arith.index_cast %scan3A_135 : i32 to index
      %get3A_174 = arith.constant 48 : index
      %get3A_175 = tpu.vector_load %arg6[%get3A_173, %get3A_174] {strides = array<i32>} : memref<250x80xi32, #tpu.memory_space<vmem>>, vector<1x16xi32>,
      %get3A_176 = vector.shape_cast %get3A_175 : vector<1x16xi32> to vector<16xi32>
      %mul3A_177 = arith.constant 2 : i32
      %mul3A_178 = vector.broadcast %mul3A_177 : i32 to vector<16xi32>
      %mul3A_179 = arith.muli %get3A_176, %mul3A_178 : vector<16xi32>
      %add3A_180 = arith.addi %mul3A_179, %add3A_25 : vector<16xi32>
      %swap3A_181 = arith.index_cast %scan3A_135 : i32 to index
      %swap3A_182 = arith.constant 48 : index
      %swap3A_183 = tpu.vector_load %arg6[%swap3A_181, %swap3A_182] {strides = array<i32>} : memref<250x80xi32, #tpu.memory_space<vmem>>, vector<1x16xi32>,
      %swap3A_184 = vector.shape_cast %swap3A_183 : vector<1x16xi32> to vector<16xi32>
      %swap3A_185 = vector.shape_cast %add3A_180 : vector<16xi32> to vector<1x16xi32>
      tpu.vector_store %arg6[%swap3A_181, %swap3A_182], %swap3A_185 {strides = array<i32>} : memref<250x80xi32, #tpu.memory_space<vmem>>, vector<1x16xi32>,
      %get3A_186 = arith.index_cast %scan3A_135 : i32 to index
      %get3A_187 = arith.constant 64 : index
      %get3A_188 = tpu.vector_load %arg6[%get3A_186, %get3A_187] {strides = array<i32>} : memref<250x80xi32, #tpu.memory_space<vmem>>, vector<1x16xi32>,
      %get3A_189 = vector.shape_cast %get3A_188 : vector<1x16xi32> to vector<16xi32>
      %mul3A_190 = arith.constant 2 : i32
      %mul3A_191 = vector.broadcast %mul3A_190 : i32 to vector<16xi32>
      %mul3A_192 = arith.muli %get3A_189, %mul3A_191 : vector<16xi32>
      %add3A_193 = arith.addi %mul3A_192, %add3A_25 : vector<16xi32>
      %swap3A_194 = arith.index_cast %scan3A_135 : i32 to index
      %swap3A_195 = arith.constant 64 : index
      %swap3A_196 = tpu.vector_load %arg6[%swap3A_194, %swap3A_195] {strides = array<i32>} : memref<250x80xi32, #tpu.memory_space<vmem>>, vector<1x16xi32>,
      %swap3A_197 = vector.shape_cast %swap3A_196 : vector<1x16xi32> to vector<16xi32>
      %swap3A_198 = vector.shape_cast %add3A_193 : vector<16xi32> to vector<1x16xi32>
      tpu.vector_store %arg6[%swap3A_194, %swap3A_195], %swap3A_198 {strides = array<i32>} : memref<250x80xi32, #tpu.memory_space<vmem>>, vector<1x16xi32>,
    }
    %scan3A_31 = arith.constant 250 : i32
    %barrier3A = arith.constant 0 : index
    tpu.barrier barrier_id(%barrier3A)
    %dma_start3A = arith.constant 0 : i32
    %dma_start3A_32 = arith.constant 0 : i32
    %dma_start3A_33 = arith.constant 0 : i32
    %dma_start3A_34 = arith.constant 0 : i32
    %dma_start3A_35 = tpu.memref_slice %arg8[%dma_start3A_32, %dma_start3A_33, %dma_start3A_34] : memref<2x80x64xf32, #tpu.memory_space<vmem>> -> memref<1x80x64xf32, #tpu.memory_space<vmem>>
    %dma_start3A_36 = tpu.memref_squeeze %dma_start3A_35 : memref<1x80x64xf32, #tpu.memory_space<vmem>> -> memref<80x64xf32, #tpu.memory_space<vmem>>
    %dma_start3A_37 = arith.constant 0 : i32
    %dma_start3A_38 = tpu.memref_slice %arg6[%dma_start3A, %dma_start3A_37] : memref<250x80xi32, #tpu.memory_space<vmem>> -> memref<1x80xi32, #tpu.memory_space<vmem>>
    %dma_start3A_39 = tpu.memref_squeeze %dma_start3A_38 : memref<1x80xi32, #tpu.memory_space<vmem>> -> memref<80xi32, #tpu.memory_space<vmem>>
    %dma_start3A_40 = arith.constant 0 : i32
    %dma_start3A_41 = arith.constant 0 : i32
    %dma_start3A_42 = tpu.memref_slice %arg2[%dma_start3A_40, %dma_start3A_41] : memref<20000x64xf32, #tpu.memory_space<hbm>> -> memref<20000x64xf32, #tpu.memory_space<hbm>>
    tpu.enqueue_indirect_dma source(%dma_start3A_42 : memref<20000x64xf32, #tpu.memory_space<hbm>>) target(%dma_start3A_36 : memref<80x64xf32, #tpu.memory_space<vmem>>) offsets(%dma_start3A_39 : memref<80xi32, #tpu.memory_space<vmem>>) semaphore(%arg11 : memref<!tpu.dma_semaphore, #tpu.memory_space<semaphore_mem>>)
    %dma_start3A_43 = arith.constant 1 : i32
    %dma_start3A_44 = arith.constant 1 : i32
    %dma_start3A_45 = arith.constant 0 : i32
    %dma_start3A_46 = arith.constant 0 : i32
    %dma_start3A_47 = tpu.memref_slice %arg8[%dma_start3A_44, %dma_start3A_45, %dma_start3A_46] : memref<2x80x64xf32, #tpu.memory_space<vmem>> -> memref<1x80x64xf32, #tpu.memory_space<vmem>>
    %dma_start3A_48 = tpu.memref_squeeze %dma_start3A_47 : memref<1x80x64xf32, #tpu.memory_space<vmem>> -> memref<80x64xf32, #tpu.memory_space<vmem>>
    %dma_start3A_49 = arith.constant 0 : i32
    %dma_start3A_50 = tpu.memref_slice %arg6[%dma_start3A_43, %dma_start3A_49] : memref<250x80xi32, #tpu.memory_space<vmem>> -> memref<1x80xi32, #tpu.memory_space<vmem>>
    %dma_start3A_51 = tpu.memref_squeeze %dma_start3A_50 : memref<1x80xi32, #tpu.memory_space<vmem>> -> memref<80xi32, #tpu.memory_space<vmem>>
    %dma_start3A_52 = arith.constant 0 : i32
    %dma_start3A_53 = arith.constant 0 : i32
    %dma_start3A_54 = tpu.memref_slice %arg2[%dma_start3A_52, %dma_start3A_53] : memref<20000x64xf32, #tpu.memory_space<hbm>> -> memref<20000x64xf32, #tpu.memory_space<hbm>>
    tpu.enqueue_indirect_dma source(%dma_start3A_54 : memref<20000x64xf32, #tpu.memory_space<hbm>>) target(%dma_start3A_48 : memref<80x64xf32, #tpu.memory_space<vmem>>) offsets(%dma_start3A_51 : memref<80xi32, #tpu.memory_space<vmem>>) semaphore(%arg12 : memref<!tpu.dma_semaphore, #tpu.memory_space<semaphore_mem>>)
    %scan3A_55 = arith.constant 0 : i32
    %scan3A_56 = arith.constant 0 : i32
    %scan3A_57 = arith.constant 125 : i32
    %scan3A_58 = arith.addi %scan3A_56, %scan3A_57 : i32
    %scan3A_59 = arith.constant 1 : i32
    scf.for %scan3A_135 = %scan3A_56 to %scan3A_58 step %scan3A_59  : i32 {
      %mul3A_136 = arith.constant 2 : i32
      %mul3A_137 = arith.muli %mul3A_136, %scan3A_135 : i32
      %dma_wait3A_138 = arith.constant 0 : i32
      %dma_wait3A_139 = arith.constant 0 : i32
      %dma_wait3A_140 = arith.constant 0 : i32
      %dma_wait3A_141 = tpu.memref_slice %arg8[%dma_wait3A_138, %dma_wait3A_139, %dma_wait3A_140] : memref<2x80x64xf32, #tpu.memory_space<vmem>> -> memref<1x80x64xf32, #tpu.memory_space<vmem>>
      %dma_wait3A_142 = tpu.memref_squeeze %dma_wait3A_141 : memref<1x80x64xf32, #tpu.memory_space<vmem>> -> memref<80x64xf32, #tpu.memory_space<vmem>>
      %dma_wait3A_143 = arith.constant 0 : i32
      %dma_wait3A_144 = tpu.memref_slice %arg6[%mul3A_137, %dma_wait3A_143] : memref<250x80xi32, #tpu.memory_space<vmem>> -> memref<1x80xi32, #tpu.memory_space<vmem>>
      %dma_wait3A_145 = tpu.memref_squeeze %dma_wait3A_144 : memref<1x80xi32, #tpu.memory_space<vmem>> -> memref<80xi32, #tpu.memory_space<vmem>>
      %dma_wait3A_146 = arith.constant 0 : i32
      %dma_wait3A_147 = arith.constant 0 : i32
      %dma_wait3A_148 = tpu.memref_slice %arg2[%dma_wait3A_146, %dma_wait3A_147] : memref<20000x64xf32, #tpu.memory_space<hbm>> -> memref<20000x64xf32, #tpu.memory_space<hbm>>
      tpu.wait_indirect_dma semaphore(%arg11 : memref<!tpu.dma_semaphore, #tpu.memory_space<semaphore_mem>>) src(%dma_wait3A_148 : memref<20000x64xf32, #tpu.memory_space<hbm>>) dst(%dma_wait3A_142 : memref<80x64xf32, #tpu.memory_space<vmem>>)
      %dma_start3A_149 = arith.constant 0 : i32
      %dma_start3A_150 = arith.constant 0 : i32
      %dma_start3A_151 = arith.constant 0 : i32
      %dma_start3A_152 = tpu.memref_slice %arg8[%dma_start3A_149, %dma_start3A_150, %dma_start3A_151] : memref<2x80x64xf32, #tpu.memory_space<vmem>> -> memref<1x80x64xf32, #tpu.memory_space<vmem>>
      %dma_start3A_153 = tpu.memref_squeeze %dma_start3A_152 : memref<1x80x64xf32, #tpu.memory_space<vmem>> -> memref<80x64xf32, #tpu.memory_space<vmem>>
      %dma_start3A_154 = arith.constant 0 : i32
      %dma_start3A_155 = tpu.memref_slice %arg7[%mul3A_137, %dma_start3A_154] : memref<250x80xi32, #tpu.memory_space<vmem>> -> memref<1x80xi32, #tpu.memory_space<vmem>>
      %dma_start3A_156 = tpu.memref_squeeze %dma_start3A_155 : memref<1x80xi32, #tpu.memory_space<vmem>> -> memref<80xi32, #tpu.memory_space<vmem>>
      %dma_start3A_157 = arith.constant 0 : i32
      %dma_start3A_158 = arith.constant 0 : i32
      %dma_start3A_159 = tpu.memref_slice %arg10[%dma_start3A_157, %dma_start3A_158] : memref<12800x64xf32, #tpu.memory_space<vmem_shared>> -> memref<12800x64xf32, #tpu.memory_space<vmem_shared>>
      tpu.enqueue_indirect_dma source(%dma_start3A_153 : memref<80x64xf32, #tpu.memory_space<vmem>>) target(%dma_start3A_159 : memref<12800x64xf32, #tpu.memory_space<vmem_shared>>) offsets(%dma_start3A_156 : memref<80xi32, #tpu.memory_space<vmem>>) semaphore(%arg13 : memref<!tpu.dma_semaphore, #tpu.memory_space<semaphore_mem>>) {add = true}
      %ge3A = arith.constant 1 : i32
      %ge3A_160 = arith.cmpi sge, %scan3A_135, %ge3A : i32
      %convert_element_type3A = arith.extui %ge3A_160 : i1 to i32
      %cond3A = arith.constant 0 : i32
      %cond3A_161 = arith.cmpi ne, %convert_element_type3A, %cond3A : i32
      scf.if %cond3A_161 {
        %dma_wait3A_202 = arith.constant 0 : i32
        %dma_wait3A_203 = arith.constant 0 : i32
        %dma_wait3A_204 = arith.constant 0 : i32
        %dma_wait3A_205 = tpu.memref_slice %arg8[%dma_wait3A_202, %dma_wait3A_203, %dma_wait3A_204] : memref<2x80x64xf32, #tpu.memory_space<vmem>> -> memref<1x80x64xf32, #tpu.memory_space<vmem>>
        %dma_wait3A_206 = tpu.memref_squeeze %dma_wait3A_205 : memref<1x80x64xf32, #tpu.memory_space<vmem>> -> memref<80x64xf32, #tpu.memory_space<vmem>>
        %dma_wait3A_207 = arith.constant 0 : i32
        %dma_wait3A_208 = tpu.memref_slice %arg7[%mul3A_137, %dma_wait3A_207] : memref<250x80xi32, #tpu.memory_space<vmem>> -> memref<1x80xi32, #tpu.memory_space<vmem>>
        %dma_wait3A_209 = tpu.memref_squeeze %dma_wait3A_208 : memref<1x80xi32, #tpu.memory_space<vmem>> -> memref<80xi32, #tpu.memory_space<vmem>>
        %dma_wait3A_210 = arith.constant 0 : i32
        %dma_wait3A_211 = arith.constant 0 : i32
        %dma_wait3A_212 = tpu.memref_slice %arg10[%dma_wait3A_210, %dma_wait3A_211] : memref<12800x64xf32, #tpu.memory_space<vmem_shared>> -> memref<12800x64xf32, #tpu.memory_space<vmem_shared>>
        tpu.wait_indirect_dma semaphore(%arg13 : memref<!tpu.dma_semaphore, #tpu.memory_space<semaphore_mem>>) src(%dma_wait3A_206 : memref<80x64xf32, #tpu.memory_space<vmem>>) dst(%dma_wait3A_212 : memref<12800x64xf32, #tpu.memory_space<vmem_shared>>)
      } else {
      }
      %lt3A = arith.constant 124 : i32
      %lt3A_162 = arith.cmpi slt, %scan3A_135, %lt3A : i32
      %convert_element_type3A_163 = arith.extui %lt3A_162 : i1 to i32
      %cond3A_164 = arith.constant 0 : i32
      %cond3A_165 = arith.cmpi ne, %convert_element_type3A_163, %cond3A_164 : i32
      scf.if %cond3A_165 {
        %add3A_202 = arith.constant 2 : i32
        %add3A_203 = arith.addi %mul3A_137, %add3A_202 : i32
        %dma_start3A_204 = arith.constant 0 : i32
        %dma_start3A_205 = arith.constant 0 : i32
        %dma_start3A_206 = arith.constant 0 : i32
        %dma_start3A_207 = tpu.memref_slice %arg8[%dma_start3A_204, %dma_start3A_205, %dma_start3A_206] : memref<2x80x64xf32, #tpu.memory_space<vmem>> -> memref<1x80x64xf32, #tpu.memory_space<vmem>>
        %dma_start3A_208 = tpu.memref_squeeze %dma_start3A_207 : memref<1x80x64xf32, #tpu.memory_space<vmem>> -> memref<80x64xf32, #tpu.memory_space<vmem>>
        %dma_start3A_209 = arith.constant 0 : i32
        %dma_start3A_210 = tpu.memref_slice %arg6[%add3A_203, %dma_start3A_209] : memref<250x80xi32, #tpu.memory_space<vmem>> -> memref<1x80xi32, #tpu.memory_space<vmem>>
        %dma_start3A_211 = tpu.memref_squeeze %dma_start3A_210 : memref<1x80xi32, #tpu.memory_space<vmem>> -> memref<80xi32, #tpu.memory_space<vmem>>
        %dma_start3A_212 = arith.constant 0 : i32
        %dma_start3A_213 = arith.constant 0 : i32
        %dma_start3A_214 = tpu.memref_slice %arg2[%dma_start3A_212, %dma_start3A_213] : memref<20000x64xf32, #tpu.memory_space<hbm>> -> memref<20000x64xf32, #tpu.memory_space<hbm>>
        tpu.enqueue_indirect_dma source(%dma_start3A_214 : memref<20000x64xf32, #tpu.memory_space<hbm>>) target(%dma_start3A_208 : memref<80x64xf32, #tpu.memory_space<vmem>>) offsets(%dma_start3A_211 : memref<80xi32, #tpu.memory_space<vmem>>) semaphore(%arg11 : memref<!tpu.dma_semaphore, #tpu.memory_space<semaphore_mem>>)
      } else {
      }
      %add3A_166 = arith.constant 1 : i32
      %add3A_167 = arith.addi %mul3A_137, %add3A_166 : i32
      %dma_wait3A_168 = arith.constant 1 : i32
      %dma_wait3A_169 = arith.constant 0 : i32
      %dma_wait3A_170 = arith.constant 0 : i32
      %dma_wait3A_171 = tpu.memref_slice %arg8[%dma_wait3A_168, %dma_wait3A_169, %dma_wait3A_170] : memref<2x80x64xf32, #tpu.memory_space<vmem>> -> memref<1x80x64xf32, #tpu.memory_space<vmem>>
      %dma_wait3A_172 = tpu.memref_squeeze %dma_wait3A_171 : memref<1x80x64xf32, #tpu.memory_space<vmem>> -> memref<80x64xf32, #tpu.memory_space<vmem>>
      %dma_wait3A_173 = arith.constant 0 : i32
      %dma_wait3A_174 = tpu.memref_slice %arg6[%add3A_167, %dma_wait3A_173] : memref<250x80xi32, #tpu.memory_space<vmem>> -> memref<1x80xi32, #tpu.memory_space<vmem>>
      %dma_wait3A_175 = tpu.memref_squeeze %dma_wait3A_174 : memref<1x80xi32, #tpu.memory_space<vmem>> -> memref<80xi32, #tpu.memory_space<vmem>>
      %dma_wait3A_176 = arith.constant 0 : i32
      %dma_wait3A_177 = arith.constant 0 : i32
      %dma_wait3A_178 = tpu.memref_slice %arg2[%dma_wait3A_176, %dma_wait3A_177] : memref<20000x64xf32, #tpu.memory_space<hbm>> -> memref<20000x64xf32, #tpu.memory_space<hbm>>
      tpu.wait_indirect_dma semaphore(%arg12 : memref<!tpu.dma_semaphore, #tpu.memory_space<semaphore_mem>>) src(%dma_wait3A_178 : memref<20000x64xf32, #tpu.memory_space<hbm>>) dst(%dma_wait3A_172 : memref<80x64xf32, #tpu.memory_space<vmem>>)
      %add3A_179 = arith.constant 1 : i32
      %add3A_180 = arith.addi %mul3A_137, %add3A_179 : i32
      %dma_start3A_181 = arith.constant 1 : i32
      %dma_start3A_182 = arith.constant 0 : i32
      %dma_start3A_183 = arith.constant 0 : i32
      %dma_start3A_184 = tpu.memref_slice %arg8[%dma_start3A_181, %dma_start3A_182, %dma_start3A_183] : memref<2x80x64xf32, #tpu.memory_space<vmem>> -> memref<1x80x64xf32, #tpu.memory_space<vmem>>
      %dma_start3A_185 = tpu.memref_squeeze %dma_start3A_184 : memref<1x80x64xf32, #tpu.memory_space<vmem>> -> memref<80x64xf32, #tpu.memory_space<vmem>>
      %dma_start3A_186 = arith.constant 0 : i32
      %dma_start3A_187 = tpu.memref_slice %arg7[%add3A_180, %dma_start3A_186] : memref<250x80xi32, #tpu.memory_space<vmem>> -> memref<1x80xi32, #tpu.memory_space<vmem>>
      %dma_start3A_188 = tpu.memref_squeeze %dma_start3A_187 : memref<1x80xi32, #tpu.memory_space<vmem>> -> memref<80xi32, #tpu.memory_space<vmem>>
      %dma_start3A_189 = arith.constant 0 : i32
      %dma_start3A_190 = arith.constant 0 : i32
      %dma_start3A_191 = tpu.memref_slice %arg10[%dma_start3A_189, %dma_start3A_190] : memref<12800x64xf32, #tpu.memory_space<vmem_shared>> -> memref<12800x64xf32, #tpu.memory_space<vmem_shared>>
      tpu.enqueue_indirect_dma source(%dma_start3A_185 : memref<80x64xf32, #tpu.memory_space<vmem>>) target(%dma_start3A_191 : memref<12800x64xf32, #tpu.memory_space<vmem_shared>>) offsets(%dma_start3A_188 : memref<80xi32, #tpu.memory_space<vmem>>) semaphore(%arg14 : memref<!tpu.dma_semaphore, #tpu.memory_space<semaphore_mem>>) {add = true}
      %ge3A_192 = arith.constant 1 : i32
      %ge3A_193 = arith.cmpi sge, %scan3A_135, %ge3A_192 : i32
      %convert_element_type3A_194 = arith.extui %ge3A_193 : i1 to i32
      %cond3A_195 = arith.constant 0 : i32
      %cond3A_196 = arith.cmpi ne, %convert_element_type3A_194, %cond3A_195 : i32
      scf.if %cond3A_196 {
        %add3A_202 = arith.constant 1 : i32
        %add3A_203 = arith.addi %mul3A_137, %add3A_202 : i32
        %dma_wait3A_204 = arith.constant 1 : i32
        %dma_wait3A_205 = arith.constant 0 : i32
        %dma_wait3A_206 = arith.constant 0 : i32
        %dma_wait3A_207 = tpu.memref_slice %arg8[%dma_wait3A_204, %dma_wait3A_205, %dma_wait3A_206] : memref<2x80x64xf32, #tpu.memory_space<vmem>> -> memref<1x80x64xf32, #tpu.memory_space<vmem>>
        %dma_wait3A_208 = tpu.memref_squeeze %dma_wait3A_207 : memref<1x80x64xf32, #tpu.memory_space<vmem>> -> memref<80x64xf32, #tpu.memory_space<vmem>>
        %dma_wait3A_209 = arith.constant 0 : i32
        %dma_wait3A_210 = tpu.memref_slice %arg7[%add3A_203, %dma_wait3A_209] : memref<250x80xi32, #tpu.memory_space<vmem>> -> memref<1x80xi32, #tpu.memory_space<vmem>>
        %dma_wait3A_211 = tpu.memref_squeeze %dma_wait3A_210 : memref<1x80xi32, #tpu.memory_space<vmem>> -> memref<80xi32, #tpu.memory_space<vmem>>
        %dma_wait3A_212 = arith.constant 0 : i32
        %dma_wait3A_213 = arith.constant 0 : i32
        %dma_wait3A_214 = tpu.memref_slice %arg10[%dma_wait3A_212, %dma_wait3A_213] : memref<12800x64xf32, #tpu.memory_space<vmem_shared>> -> memref<12800x64xf32, #tpu.memory_space<vmem_shared>>
        tpu.wait_indirect_dma semaphore(%arg14 : memref<!tpu.dma_semaphore, #tpu.memory_space<semaphore_mem>>) src(%dma_wait3A_208 : memref<80x64xf32, #tpu.memory_space<vmem>>) dst(%dma_wait3A_214 : memref<12800x64xf32, #tpu.memory_space<vmem_shared>>)
      } else {
      }
      %lt3A_197 = arith.constant 124 : i32
      %lt3A_198 = arith.cmpi slt, %scan3A_135, %lt3A_197 : i32
      %convert_element_type3A_199 = arith.extui %lt3A_198 : i1 to i32
      %cond3A_200 = arith.constant 0 : i32
      %cond3A_201 = arith.cmpi ne, %convert_element_type3A_199, %cond3A_200 : i32
      scf.if %cond3A_201 {
        %add3A_202 = arith.constant 3 : i32
        %add3A_203 = arith.addi %mul3A_137, %add3A_202 : i32
        %dma_start3A_204 = arith.constant 1 : i32
        %dma_start3A_205 = arith.constant 0 : i32
        %dma_start3A_206 = arith.constant 0 : i32
        %dma_start3A_207 = tpu.memref_slice %arg8[%dma_start3A_204, %dma_start3A_205, %dma_start3A_206] : memref<2x80x64xf32, #tpu.memory_space<vmem>> -> memref<1x80x64xf32, #tpu.memory_space<vmem>>
        %dma_start3A_208 = tpu.memref_squeeze %dma_start3A_207 : memref<1x80x64xf32, #tpu.memory_space<vmem>> -> memref<80x64xf32, #tpu.memory_space<vmem>>
        %dma_start3A_209 = arith.constant 0 : i32
        %dma_start3A_210 = tpu.memref_slice %arg6[%add3A_203, %dma_start3A_209] : memref<250x80xi32, #tpu.memory_space<vmem>> -> memref<1x80xi32, #tpu.memory_space<vmem>>
        %dma_start3A_211 = tpu.memref_squeeze %dma_start3A_210 : memref<1x80xi32, #tpu.memory_space<vmem>> -> memref<80xi32, #tpu.memory_space<vmem>>
        %dma_start3A_212 = arith.constant 0 : i32
        %dma_start3A_213 = arith.constant 0 : i32
        %dma_start3A_214 = tpu.memref_slice %arg2[%dma_start3A_212, %dma_start3A_213] : memref<20000x64xf32, #tpu.memory_space<hbm>> -> memref<20000x64xf32, #tpu.memory_space<hbm>>
        tpu.enqueue_indirect_dma source(%dma_start3A_214 : memref<20000x64xf32, #tpu.memory_space<hbm>>) target(%dma_start3A_208 : memref<80x64xf32, #tpu.memory_space<vmem>>) offsets(%dma_start3A_211 : memref<80xi32, #tpu.memory_space<vmem>>) semaphore(%arg12 : memref<!tpu.dma_semaphore, #tpu.memory_space<semaphore_mem>>)
      } else {
      }
    }
    %scan3A_60 = arith.constant 125 : i32
    %dma_wait3A = arith.constant 0 : i32
    %dma_wait3A_61 = arith.constant 248 : i32
    %dma_wait3A_62 = arith.constant 0 : i32
    %dma_wait3A_63 = arith.constant 0 : i32
    %dma_wait3A_64 = tpu.memref_slice %arg8[%dma_wait3A, %dma_wait3A_62, %dma_wait3A_63] : memref<2x80x64xf32, #tpu.memory_space<vmem>> -> memref<1x80x64xf32, #tpu.memory_space<vmem>>
    %dma_wait3A_65 = tpu.memref_squeeze %dma_wait3A_64 : memref<1x80x64xf32, #tpu.memory_space<vmem>> -> memref<80x64xf32, #tpu.memory_space<vmem>>
    %dma_wait3A_66 = arith.constant 0 : i32
    %dma_wait3A_67 = tpu.memref_slice %arg7[%dma_wait3A_61, %dma_wait3A_66] : memref<250x80xi32, #tpu.memory_space<vmem>> -> memref<1x80xi32, #tpu.memory_space<vmem>>
    %dma_wait3A_68 = tpu.memref_squeeze %dma_wait3A_67 : memref<1x80xi32, #tpu.memory_space<vmem>> -> memref<80xi32, #tpu.memory_space<vmem>>
    %dma_wait3A_69 = arith.constant 0 : i32
    %dma_wait3A_70 = arith.constant 0 : i32
    %dma_wait3A_71 = tpu.memref_slice %arg10[%dma_wait3A_69, %dma_wait3A_70] : memref<12800x64xf32, #tpu.memory_space<vmem_shared>> -> memref<12800x64xf32, #tpu.memory_space<vmem_shared>>
    tpu.wait_indirect_dma semaphore(%arg13 : memref<!tpu.dma_semaphore, #tpu.memory_space<semaphore_mem>>) src(%dma_wait3A_65 : memref<80x64xf32, #tpu.memory_space<vmem>>) dst(%dma_wait3A_71 : memref<12800x64xf32, #tpu.memory_space<vmem_shared>>)
    %dma_wait3A_72 = arith.constant 1 : i32
    %dma_wait3A_73 = arith.constant 249 : i32
    %dma_wait3A_74 = arith.constant 0 : i32
    %dma_wait3A_75 = arith.constant 0 : i32
    %dma_wait3A_76 = tpu.memref_slice %arg8[%dma_wait3A_72, %dma_wait3A_74, %dma_wait3A_75] : memref<2x80x64xf32, #tpu.memory_space<vmem>> -> memref<1x80x64xf32, #tpu.memory_space<vmem>>
    %dma_wait3A_77 = tpu.memref_squeeze %dma_wait3A_76 : memref<1x80x64xf32, #tpu.memory_space<vmem>> -> memref<80x64xf32, #tpu.memory_space<vmem>>
    %dma_wait3A_78 = arith.constant 0 : i32
    %dma_wait3A_79 = tpu.memref_slice %arg7[%dma_wait3A_73, %dma_wait3A_78] : memref<250x80xi32, #tpu.memory_space<vmem>> -> memref<1x80xi32, #tpu.memory_space<vmem>>
    %dma_wait3A_80 = tpu.memref_squeeze %dma_wait3A_79 : memref<1x80xi32, #tpu.memory_space<vmem>> -> memref<80xi32, #tpu.memory_space<vmem>>
    %dma_wait3A_81 = arith.constant 0 : i32
    %dma_wait3A_82 = arith.constant 0 : i32
    %dma_wait3A_83 = tpu.memref_slice %arg10[%dma_wait3A_81, %dma_wait3A_82] : memref<12800x64xf32, #tpu.memory_space<vmem_shared>> -> memref<12800x64xf32, #tpu.memory_space<vmem_shared>>
    tpu.wait_indirect_dma semaphore(%arg14 : memref<!tpu.dma_semaphore, #tpu.memory_space<semaphore_mem>>) src(%dma_wait3A_77 : memref<80x64xf32, #tpu.memory_space<vmem>>) dst(%dma_wait3A_83 : memref<12800x64xf32, #tpu.memory_space<vmem_shared>>)
    %barrier3A_84 = arith.constant 0 : index
    tpu.barrier barrier_id(%barrier3A_84)
    %mul3A_85 = arith.constant 800 : i32
    %mul3A_86 = arith.muli %arg1, %mul3A_85 : i32
    %add3A_87 = arith.constant 0 : i32
    %add3A_88 = arith.addi %mul3A_86, %add3A_87 : i32
    %mul3A_89 = arith.constant 800 : i32
    %mul3A_90 = arith.muli %arg1, %mul3A_89 : i32
    %add3A_91 = arith.constant 0 : i32
    %add3A_92 = arith.addi %mul3A_90, %add3A_91 : i32
    %mul3A_93 = arith.constant 64 : i32
    %mul3A_94 = arith.muli %arg0, %mul3A_93 : i32
    "tpu.region"() ({
      %run_scoped3A = tpu.sem_alloc : memref<!tpu.dma_semaphore, #tpu.memory_space<semaphore_mem>>
      %dma_start3A_135 = tpu.memref_slice %arg5[%add3A_92, %mul3A_94] : memref<12800x128xf32, #tpu.memory_space<hbm>> -> memref<160x64xf32, #tpu.memory_space<hbm>>
      %dma_start3A_136 = arith.constant 0 : i32
      %dma_start3A_137 = tpu.memref_slice %arg10[%add3A_88, %dma_start3A_136] : memref<12800x64xf32, #tpu.memory_space<vmem_shared>> -> memref<160x64xf32, #tpu.memory_space<vmem_shared>>
      tpu.enqueue_dma source(%dma_start3A_137 : memref<160x64xf32, #tpu.memory_space<vmem_shared>>) target(%dma_start3A_135 : memref<160x64xf32, #tpu.memory_space<hbm>>) target_semaphore(%run_scoped3A : memref<!tpu.dma_semaphore, #tpu.memory_space<semaphore_mem>>)
      %dma_wait3A_138 = tpu.memref_slice %arg5[%add3A_92, %mul3A_94] : memref<12800x128xf32, #tpu.memory_space<hbm>> -> memref<160x64xf32, #tpu.memory_space<hbm>>
      %dma_wait3A_139 = arith.constant 0 : i32
      %dma_wait3A_140 = tpu.memref_slice %arg10[%add3A_88, %dma_wait3A_139] : memref<12800x64xf32, #tpu.memory_space<vmem_shared>> -> memref<160x64xf32, #tpu.memory_space<vmem_shared>>
      tpu.wait_dma2 semaphore(%run_scoped3A : memref<!tpu.dma_semaphore, #tpu.memory_space<semaphore_mem>>) src(%dma_wait3A_140 : memref<160x64xf32, #tpu.memory_space<vmem_shared>>) dst(%dma_wait3A_138 : memref<160x64xf32, #tpu.memory_space<hbm>>)
      tpu.yield
    }) : () -> ()
    %mul3A_95 = arith.constant 800 : i32
    %mul3A_96 = arith.muli %arg1, %mul3A_95 : i32
    %add3A_97 = arith.constant 160 : i32
    %add3A_98 = arith.addi %mul3A_96, %add3A_97 : i32
    %mul3A_99 = arith.constant 800 : i32
    %mul3A_100 = arith.muli %arg1, %mul3A_99 : i32
    %add3A_101 = arith.constant 160 : i32
    %add3A_102 = arith.addi %mul3A_100, %add3A_101 : i32
    %mul3A_103 = arith.constant 64 : i32
    %mul3A_104 = arith.muli %arg0, %mul3A_103 : i32
    "tpu.region"() ({
      %run_scoped3A = tpu.sem_alloc : memref<!tpu.dma_semaphore, #tpu.memory_space<semaphore_mem>>
      %dma_start3A_135 = tpu.memref_slice %arg5[%add3A_102, %mul3A_104] : memref<12800x128xf32, #tpu.memory_space<hbm>> -> memref<160x64xf32, #tpu.memory_space<hbm>>
      %dma_start3A_136 = arith.constant 0 : i32
      %dma_start3A_137 = tpu.memref_slice %arg10[%add3A_98, %dma_start3A_136] : memref<12800x64xf32, #tpu.memory_space<vmem_shared>> -> memref<160x64xf32, #tpu.memory_space<vmem_shared>>
      tpu.enqueue_dma source(%dma_start3A_137 : memref<160x64xf32, #tpu.memory_space<vmem_shared>>) target(%dma_start3A_135 : memref<160x64xf32, #tpu.memory_space<hbm>>) target_semaphore(%run_scoped3A : memref<!tpu.dma_semaphore, #tpu.memory_space<semaphore_mem>>)
      %dma_wait3A_138 = tpu.memref_slice %arg5[%add3A_102, %mul3A_104] : memref<12800x128xf32, #tpu.memory_space<hbm>> -> memref<160x64xf32, #tpu.memory_space<hbm>>
      %dma_wait3A_139 = arith.constant 0 : i32
      %dma_wait3A_140 = tpu.memref_slice %arg10[%add3A_98, %dma_wait3A_139] : memref<12800x64xf32, #tpu.memory_space<vmem_shared>> -> memref<160x64xf32, #tpu.memory_space<vmem_shared>>
      tpu.wait_dma2 semaphore(%run_scoped3A : memref<!tpu.dma_semaphore, #tpu.memory_space<semaphore_mem>>) src(%dma_wait3A_140 : memref<160x64xf32, #tpu.memory_space<vmem_shared>>) dst(%dma_wait3A_138 : memref<160x64xf32, #tpu.memory_space<hbm>>)
      tpu.yield
    }) : () -> ()
    %mul3A_105 = arith.constant 800 : i32
    %mul3A_106 = arith.muli %arg1, %mul3A_105 : i32
    %add3A_107 = arith.constant 320 : i32
    %add3A_108 = arith.addi %mul3A_106, %add3A_107 : i32
    %mul3A_109 = arith.constant 800 : i32
    %mul3A_110 = arith.muli %arg1, %mul3A_109 : i32
    %add3A_111 = arith.constant 320 : i32
    %add3A_112 = arith.addi %mul3A_110, %add3A_111 : i32
    %mul3A_113 = arith.constant 64 : i32
    %mul3A_114 = arith.muli %arg0, %mul3A_113 : i32
    "tpu.region"() ({
      %run_scoped3A = tpu.sem_alloc : memref<!tpu.dma_semaphore, #tpu.memory_space<semaphore_mem>>
      %dma_start3A_135 = tpu.memref_slice %arg5[%add3A_112, %mul3A_114] : memref<12800x128xf32, #tpu.memory_space<hbm>> -> memref<160x64xf32, #tpu.memory_space<hbm>>
      %dma_start3A_136 = arith.constant 0 : i32
      %dma_start3A_137 = tpu.memref_slice %arg10[%add3A_108, %dma_start3A_136] : memref<12800x64xf32, #tpu.memory_space<vmem_shared>> -> memref<160x64xf32, #tpu.memory_space<vmem_shared>>
      tpu.enqueue_dma source(%dma_start3A_137 : memref<160x64xf32, #tpu.memory_space<vmem_shared>>) target(%dma_start3A_135 : memref<160x64xf32, #tpu.memory_space<hbm>>) target_semaphore(%run_scoped3A : memref<!tpu.dma_semaphore, #tpu.memory_space<semaphore_mem>>)
      %dma_wait3A_138 = tpu.memref_slice %arg5[%add3A_112, %mul3A_114] : memref<12800x128xf32, #tpu.memory_space<hbm>> -> memref<160x64xf32, #tpu.memory_space<hbm>>
      %dma_wait3A_139 = arith.constant 0 : i32
      %dma_wait3A_140 = tpu.memref_slice %arg10[%add3A_108, %dma_wait3A_139] : memref<12800x64xf32, #tpu.memory_space<vmem_shared>> -> memref<160x64xf32, #tpu.memory_space<vmem_shared>>
      tpu.wait_dma2 semaphore(%run_scoped3A : memref<!tpu.dma_semaphore, #tpu.memory_space<semaphore_mem>>) src(%dma_wait3A_140 : memref<160x64xf32, #tpu.memory_space<vmem_shared>>) dst(%dma_wait3A_138 : memref<160x64xf32, #tpu.memory_space<hbm>>)
      tpu.yield
    }) : () -> ()
    %mul3A_115 = arith.constant 800 : i32
    %mul3A_116 = arith.muli %arg1, %mul3A_115 : i32
    %add3A_117 = arith.constant 480 : i32
    %add3A_118 = arith.addi %mul3A_116, %add3A_117 : i32
    %mul3A_119 = arith.constant 800 : i32
    %mul3A_120 = arith.muli %arg1, %mul3A_119 : i32
    %add3A_121 = arith.constant 480 : i32
    %add3A_122 = arith.addi %mul3A_120, %add3A_121 : i32
    %mul3A_123 = arith.constant 64 : i32
    %mul3A_124 = arith.muli %arg0, %mul3A_123 : i32
    "tpu.region"() ({
      %run_scoped3A = tpu.sem_alloc : memref<!tpu.dma_semaphore, #tpu.memory_space<semaphore_mem>>
      %dma_start3A_135 = tpu.memref_slice %arg5[%add3A_122, %mul3A_124] : memref<12800x128xf32, #tpu.memory_space<hbm>> -> memref<160x64xf32, #tpu.memory_space<hbm>>
      %dma_start3A_136 = arith.constant 0 : i32
      %dma_start3A_137 = tpu.memref_slice %arg10[%add3A_118, %dma_start3A_136] : memref<12800x64xf32, #tpu.memory_space<vmem_shared>> -> memref<160x64xf32, #tpu.memory_space<vmem_shared>>
      tpu.enqueue_dma source(%dma_start3A_137 : memref<160x64xf32, #tpu.memory_space<vmem_shared>>) target(%dma_start3A_135 : memref<160x64xf32, #tpu.memory_space<hbm>>) target_semaphore(%run_scoped3A : memref<!tpu.dma_semaphore, #tpu.memory_space<semaphore_mem>>)
      %dma_wait3A_138 = tpu.memref_slice %arg5[%add3A_122, %mul3A_124] : memref<12800x128xf32, #tpu.memory_space<hbm>> -> memref<160x64xf32, #tpu.memory_space<hbm>>
      %dma_wait3A_139 = arith.constant 0 : i32
      %dma_wait3A_140 = tpu.memref_slice %arg10[%add3A_118, %dma_wait3A_139] : memref<12800x64xf32, #tpu.memory_space<vmem_shared>> -> memref<160x64xf32, #tpu.memory_space<vmem_shared>>
      tpu.wait_dma2 semaphore(%run_scoped3A : memref<!tpu.dma_semaphore, #tpu.memory_space<semaphore_mem>>) src(%dma_wait3A_140 : memref<160x64xf32, #tpu.memory_space<vmem_shared>>) dst(%dma_wait3A_138 : memref<160x64xf32, #tpu.memory_space<hbm>>)
      tpu.yield
    }) : () -> ()
    %mul3A_125 = arith.constant 800 : i32
    %mul3A_126 = arith.muli %arg1, %mul3A_125 : i32
    %add3A_127 = arith.constant 640 : i32
    %add3A_128 = arith.addi %mul3A_126, %add3A_127 : i32
    %mul3A_129 = arith.constant 800 : i32
    %mul3A_130 = arith.muli %arg1, %mul3A_129 : i32
    %add3A_131 = arith.constant 640 : i32
    %add3A_132 = arith.addi %mul3A_130, %add3A_131 : i32
    %mul3A_133 = arith.constant 64 : i32
    %mul3A_134 = arith.muli %arg0, %mul3A_133 : i32
    "tpu.region"() ({
      %run_scoped3A = tpu.sem_alloc : memref<!tpu.dma_semaphore, #tpu.memory_space<semaphore_mem>>
      %dma_start3A_135 = tpu.memref_slice %arg5[%add3A_132, %mul3A_134] : memref<12800x128xf32, #tpu.memory_space<hbm>> -> memref<160x64xf32, #tpu.memory_space<hbm>>
      %dma_start3A_136 = arith.constant 0 : i32
      %dma_start3A_137 = tpu.memref_slice %arg10[%add3A_128, %dma_start3A_136] : memref<12800x64xf32, #tpu.memory_space<vmem_shared>> -> memref<160x64xf32, #tpu.memory_space<vmem_shared>>
      tpu.enqueue_dma source(%dma_start3A_137 : memref<160x64xf32, #tpu.memory_space<vmem_shared>>) target(%dma_start3A_135 : memref<160x64xf32, #tpu.memory_space<hbm>>) target_semaphore(%run_scoped3A : memref<!tpu.dma_semaphore, #tpu.memory_space<semaphore_mem>>)
      %dma_wait3A_138 = tpu.memref_slice %arg5[%add3A_132, %mul3A_134] : memref<12800x128xf32, #tpu.memory_space<hbm>> -> memref<160x64xf32, #tpu.memory_space<hbm>>
      %dma_wait3A_139 = arith.constant 0 : i32
      %dma_wait3A_140 = tpu.memref_slice %arg10[%add3A_128, %dma_wait3A_139] : memref<12800x64xf32, #tpu.memory_space<vmem_shared>> -> memref<160x64xf32, #tpu.memory_space<vmem_shared>>
      tpu.wait_dma2 semaphore(%run_scoped3A : memref<!tpu.dma_semaphore, #tpu.memory_space<semaphore_mem>>) src(%dma_wait3A_140 : memref<160x64xf32, #tpu.memory_space<vmem_shared>>) dst(%dma_wait3A_138 : memref<160x64xf32, #tpu.memory_space<hbm>>)
      tpu.yield
    }) : () -> ()
    return
  }
}

module attributes {stable_mosaic.version = 14 : i64} {
  func.func @_xw_body(%arg0: i32, %arg1: memref<400x128xf32, #tpu.memory_space<vmem>>, %arg2: memref<128x128xf32, #tpu.memory_space<vmem>>, %arg3: memref<400x128xf32, #tpu.memory_space<vmem>>) attributes {dimension_semantics = [#tpu.dimension_semantics<arbitrary>], iteration_bounds = array<i64: 25>, scalar_prefetch = 0 : i64, scratch_operands = 0 : i64, tpu.core_type = #tpu.core_type<tc>, window_params = [{transform_indices = @transform_0, window_bounds = array<i64: 400, 128>}, {pipeline_mode = #tpu.pipeline_mode<synchronous>, transform_indices = @transform_1, window_bounds = array<i64: 128, 128>}, {transform_indices = @transform_2, window_bounds = array<i64: 400, 128>}]} {
    %get3A = arith.constant 0 : index
    %get3A_0 = arith.constant 0 : index
    %get3A_1 = vector.load %arg1[%get3A, %get3A_0] : memref<400x128xf32, #tpu.memory_space<vmem>>, vector<400x128xf32>
    %get3A_2 = arith.constant 0 : index
    %get3A_3 = arith.constant 0 : index
    %get3A_4 = vector.load %arg2[%get3A_2, %get3A_3] : memref<128x128xf32, #tpu.memory_space<vmem>>, vector<128x128xf32>
    %dot_general3A = arith.constant dense<0.000000e+00> : vector<400x128xf32>
    %dot_general3A_5 = tpu.matmul %get3A_1, %get3A_4, %dot_general3A {dimension_numbers = #tpu.dot_dimension_numbers<[1], [0], [0], [1], [0, 0, 1, 1], [], []>, transpose_lhs_hint = false} : vector<400x128xf32>, vector<128x128xf32>, vector<400x128xf32> -> vector<400x128xf32>
    %swap3A = arith.constant 0 : index
    %swap3A_6 = arith.constant 0 : index
    %swap3A_7 = vector.load %arg3[%swap3A, %swap3A_6] : memref<400x128xf32, #tpu.memory_space<vmem>>, vector<400x128xf32>
    tpu.vector_store %arg3[%swap3A, %swap3A_6], %dot_general3A_5 {strides = array<i32>} : memref<400x128xf32, #tpu.memory_space<vmem>>, vector<400x128xf32>,
    return
  }
  func.func @transform_0(%arg0: i32) -> (i32, i32) {
    %c0_i32 = arith.constant 0 : i32
    %c0_i32_0 = arith.constant 0 : i32
    return %arg0, %c0_i32 : i32, i32
  }
  func.func @transform_1(%arg0: i32) -> (i32, i32) {
    %c0_i32 = arith.constant 0 : i32
    %c0_i32_0 = arith.constant 0 : i32
    %c0_i32_1 = arith.constant 0 : i32
    return %c0_i32, %c0_i32_0 : i32, i32
  }
  func.func @transform_2(%arg0: i32) -> (i32, i32) {
    %c0_i32 = arith.constant 0 : i32
    %c0_i32_0 = arith.constant 0 : i32
    return %arg0, %c0_i32 : i32, i32
  }
}

module attributes {stable_mosaic.version = 14 : i64} {
  func.func @_dexp_body(%arg0: i32, %arg1: memref<8x128xf32, #tpu.memory_space<vmem>>, %arg2: memref<8x128xf32, #tpu.memory_space<vmem>>, %arg3: memref<1024x128xf32, #tpu.memory_space<vmem>>) attributes {dimension_semantics = [#tpu.dimension_semantics<arbitrary>], iteration_bounds = array<i64: 10>, scalar_prefetch = 0 : i64, scratch_operands = 0 : i64, tpu.core_type = #tpu.core_type<tc>, window_params = [{transform_indices = @transform_0, window_bounds = array<i64: 8, 128>}, {transform_indices = @transform_1, window_bounds = array<i64: 8, 128>}, {transform_indices = @transform_2, window_bounds = array<i64: 1024, 128>}]} {
    %get3A = arith.constant 0 : index
    %get3A_0 = arith.constant 0 : index
    %get3A_1 = vector.load %arg1[%get3A, %get3A_0] : memref<8x128xf32, #tpu.memory_space<vmem>>, vector<8x128xf32>
    %get3A_2 = arith.constant 0 : index
    %get3A_3 = arith.constant 0 : index
    %get3A_4 = vector.load %arg2[%get3A_2, %get3A_3] : memref<8x128xf32, #tpu.memory_space<vmem>>, vector<8x128xf32>
    %add3A = arith.addf %get3A_1, %get3A_4 : vector<8x128xf32>
    %add3A_5 = arith.constant 1.000000e+00 : f32
    %add3A_6 = vector.broadcast %add3A_5 : f32 to vector<8x128xf32>
    %add3A_7 = arith.addf %add3A, %add3A_6 : vector<8x128xf32>
    %rsqrt3A = math.rsqrt %add3A_7 : vector<8x128xf32>
    %broadcast_in_dim3A = arith.constant 1.000000e+00 : f32
    %broadcast_in_dim3A_8 = vector.broadcast %broadcast_in_dim3A : f32 to vector<1x128xf32>
    %slice3A = vector.extract_strided_slice %rsqrt3A {offsets = [0, 0], sizes = [1, 128], strides = [1, 1]} : vector<8x128xf32> to vector<1x128xf32>
    %dot_general3A = arith.constant dense<0.000000e+00> : vector<128x128xf32>
    %dot_general3A_9 = tpu.matmul %slice3A, %broadcast_in_dim3A_8, %dot_general3A {dimension_numbers = #tpu.dot_dimension_numbers<[0], [0], [1], [1], [0, 1, 1, 1], [], []>, transpose_lhs_hint = false} : vector<1x128xf32>, vector<1x128xf32>, vector<128x128xf32> -> vector<128x128xf32>
    %swap3A = arith.constant 0 : index
    %swap3A_10 = arith.constant 0 : index
    %swap3A_11 = vector.load %arg3[%swap3A, %swap3A_10] : memref<1024x128xf32, #tpu.memory_space<vmem>>, vector<128x128xf32>
    tpu.vector_store %arg3[%swap3A, %swap3A_10], %dot_general3A_9 {strides = array<i32>} : memref<1024x128xf32, #tpu.memory_space<vmem>>, vector<128x128xf32>,
    %slice3A_12 = vector.extract_strided_slice %rsqrt3A {offsets = [1, 0], sizes = [1, 128], strides = [1, 1]} : vector<8x128xf32> to vector<1x128xf32>
    %dot_general3A_13 = arith.constant dense<0.000000e+00> : vector<128x128xf32>
    %dot_general3A_14 = tpu.matmul %slice3A_12, %broadcast_in_dim3A_8, %dot_general3A_13 {dimension_numbers = #tpu.dot_dimension_numbers<[0], [0], [1], [1], [0, 1, 1, 1], [], []>, transpose_lhs_hint = false} : vector<1x128xf32>, vector<1x128xf32>, vector<128x128xf32> -> vector<128x128xf32>
    %swap3A_15 = arith.constant 128 : index
    %swap3A_16 = arith.constant 0 : index
    %swap3A_17 = vector.load %arg3[%swap3A_15, %swap3A_16] : memref<1024x128xf32, #tpu.memory_space<vmem>>, vector<128x128xf32>
    tpu.vector_store %arg3[%swap3A_15, %swap3A_16], %dot_general3A_14 {strides = array<i32>} : memref<1024x128xf32, #tpu.memory_space<vmem>>, vector<128x128xf32>,
    %slice3A_18 = vector.extract_strided_slice %rsqrt3A {offsets = [2, 0], sizes = [1, 128], strides = [1, 1]} : vector<8x128xf32> to vector<1x128xf32>
    %dot_general3A_19 = arith.constant dense<0.000000e+00> : vector<128x128xf32>
    %dot_general3A_20 = tpu.matmul %slice3A_18, %broadcast_in_dim3A_8, %dot_general3A_19 {dimension_numbers = #tpu.dot_dimension_numbers<[0], [0], [1], [1], [0, 1, 1, 1], [], []>, transpose_lhs_hint = false} : vector<1x128xf32>, vector<1x128xf32>, vector<128x128xf32> -> vector<128x128xf32>
    %swap3A_21 = arith.constant 256 : index
    %swap3A_22 = arith.constant 0 : index
    %swap3A_23 = vector.load %arg3[%swap3A_21, %swap3A_22] : memref<1024x128xf32, #tpu.memory_space<vmem>>, vector<128x128xf32>
    tpu.vector_store %arg3[%swap3A_21, %swap3A_22], %dot_general3A_20 {strides = array<i32>} : memref<1024x128xf32, #tpu.memory_space<vmem>>, vector<128x128xf32>,
    %slice3A_24 = vector.extract_strided_slice %rsqrt3A {offsets = [3, 0], sizes = [1, 128], strides = [1, 1]} : vector<8x128xf32> to vector<1x128xf32>
    %dot_general3A_25 = arith.constant dense<0.000000e+00> : vector<128x128xf32>
    %dot_general3A_26 = tpu.matmul %slice3A_24, %broadcast_in_dim3A_8, %dot_general3A_25 {dimension_numbers = #tpu.dot_dimension_numbers<[0], [0], [1], [1], [0, 1, 1, 1], [], []>, transpose_lhs_hint = false} : vector<1x128xf32>, vector<1x128xf32>, vector<128x128xf32> -> vector<128x128xf32>
    %swap3A_27 = arith.constant 384 : index
    %swap3A_28 = arith.constant 0 : index
    %swap3A_29 = vector.load %arg3[%swap3A_27, %swap3A_28] : memref<1024x128xf32, #tpu.memory_space<vmem>>, vector<128x128xf32>
    tpu.vector_store %arg3[%swap3A_27, %swap3A_28], %dot_general3A_26 {strides = array<i32>} : memref<1024x128xf32, #tpu.memory_space<vmem>>, vector<128x128xf32>,
    %slice3A_30 = vector.extract_strided_slice %rsqrt3A {offsets = [4, 0], sizes = [1, 128], strides = [1, 1]} : vector<8x128xf32> to vector<1x128xf32>
    %dot_general3A_31 = arith.constant dense<0.000000e+00> : vector<128x128xf32>
    %dot_general3A_32 = tpu.matmul %slice3A_30, %broadcast_in_dim3A_8, %dot_general3A_31 {dimension_numbers = #tpu.dot_dimension_numbers<[0], [0], [1], [1], [0, 1, 1, 1], [], []>, transpose_lhs_hint = false} : vector<1x128xf32>, vector<1x128xf32>, vector<128x128xf32> -> vector<128x128xf32>
    %swap3A_33 = arith.constant 512 : index
    %swap3A_34 = arith.constant 0 : index
    %swap3A_35 = vector.load %arg3[%swap3A_33, %swap3A_34] : memref<1024x128xf32, #tpu.memory_space<vmem>>, vector<128x128xf32>
    tpu.vector_store %arg3[%swap3A_33, %swap3A_34], %dot_general3A_32 {strides = array<i32>} : memref<1024x128xf32, #tpu.memory_space<vmem>>, vector<128x128xf32>,
    %slice3A_36 = vector.extract_strided_slice %rsqrt3A {offsets = [5, 0], sizes = [1, 128], strides = [1, 1]} : vector<8x128xf32> to vector<1x128xf32>
    %dot_general3A_37 = arith.constant dense<0.000000e+00> : vector<128x128xf32>
    %dot_general3A_38 = tpu.matmul %slice3A_36, %broadcast_in_dim3A_8, %dot_general3A_37 {dimension_numbers = #tpu.dot_dimension_numbers<[0], [0], [1], [1], [0, 1, 1, 1], [], []>, transpose_lhs_hint = false} : vector<1x128xf32>, vector<1x128xf32>, vector<128x128xf32> -> vector<128x128xf32>
    %swap3A_39 = arith.constant 640 : index
    %swap3A_40 = arith.constant 0 : index
    %swap3A_41 = vector.load %arg3[%swap3A_39, %swap3A_40] : memref<1024x128xf32, #tpu.memory_space<vmem>>, vector<128x128xf32>
    tpu.vector_store %arg3[%swap3A_39, %swap3A_40], %dot_general3A_38 {strides = array<i32>} : memref<1024x128xf32, #tpu.memory_space<vmem>>, vector<128x128xf32>,
    %slice3A_42 = vector.extract_strided_slice %rsqrt3A {offsets = [6, 0], sizes = [1, 128], strides = [1, 1]} : vector<8x128xf32> to vector<1x128xf32>
    %dot_general3A_43 = arith.constant dense<0.000000e+00> : vector<128x128xf32>
    %dot_general3A_44 = tpu.matmul %slice3A_42, %broadcast_in_dim3A_8, %dot_general3A_43 {dimension_numbers = #tpu.dot_dimension_numbers<[0], [0], [1], [1], [0, 1, 1, 1], [], []>, transpose_lhs_hint = false} : vector<1x128xf32>, vector<1x128xf32>, vector<128x128xf32> -> vector<128x128xf32>
    %swap3A_45 = arith.constant 768 : index
    %swap3A_46 = arith.constant 0 : index
    %swap3A_47 = vector.load %arg3[%swap3A_45, %swap3A_46] : memref<1024x128xf32, #tpu.memory_space<vmem>>, vector<128x128xf32>
    tpu.vector_store %arg3[%swap3A_45, %swap3A_46], %dot_general3A_44 {strides = array<i32>} : memref<1024x128xf32, #tpu.memory_space<vmem>>, vector<128x128xf32>,
    %slice3A_48 = vector.extract_strided_slice %rsqrt3A {offsets = [7, 0], sizes = [1, 128], strides = [1, 1]} : vector<8x128xf32> to vector<1x128xf32>
    %dot_general3A_49 = arith.constant dense<0.000000e+00> : vector<128x128xf32>
    %dot_general3A_50 = tpu.matmul %slice3A_48, %broadcast_in_dim3A_8, %dot_general3A_49 {dimension_numbers = #tpu.dot_dimension_numbers<[0], [0], [1], [1], [0, 1, 1, 1], [], []>, transpose_lhs_hint = false} : vector<1x128xf32>, vector<1x128xf32>, vector<128x128xf32> -> vector<128x128xf32>
    %swap3A_51 = arith.constant 896 : index
    %swap3A_52 = arith.constant 0 : index
    %swap3A_53 = vector.load %arg3[%swap3A_51, %swap3A_52] : memref<1024x128xf32, #tpu.memory_space<vmem>>, vector<128x128xf32>
    tpu.vector_store %arg3[%swap3A_51, %swap3A_52], %dot_general3A_50 {strides = array<i32>} : memref<1024x128xf32, #tpu.memory_space<vmem>>, vector<128x128xf32>,
    return
  }
  func.func @transform_0(%arg0: i32) -> (i32, i32) {
    %c0_i32 = arith.constant 0 : i32
    %c0_i32_0 = arith.constant 0 : i32
    return %arg0, %c0_i32 : i32, i32
  }
  func.func @transform_1(%arg0: i32) -> (i32, i32) {
    %c0_i32 = arith.constant 0 : i32
    %c0_i32_0 = arith.constant 0 : i32
    return %arg0, %c0_i32 : i32, i32
  }
  func.func @transform_2(%arg0: i32) -> (i32, i32) {
    %c0_i32 = arith.constant 0 : i32
    %c0_i32_0 = arith.constant 0 : i32
    return %arg0, %c0_i32 : i32, i32
  }
}

module attributes {stable_mosaic.version = 14 : i64} {
  func.func @_yw_body(%arg0: i32, %arg1: memref<400x128xf32, #tpu.memory_space<vmem>>, %arg2: memref<400x128xf32, #tpu.memory_space<vmem>>, %arg3: memref<400x128xf32, #tpu.memory_space<vmem>>) attributes {dimension_semantics = [#tpu.dimension_semantics<arbitrary>], iteration_bounds = array<i64: 25>, scalar_prefetch = 0 : i64, scratch_operands = 0 : i64, tpu.core_type = #tpu.core_type<tc>, window_params = [{transform_indices = @transform_0, window_bounds = array<i64: 400, 128>}, {transform_indices = @transform_1, window_bounds = array<i64: 400, 128>}, {transform_indices = @transform_2, window_bounds = array<i64: 400, 128>}]} {
    %get3A = arith.constant 0 : index
    %get3A_0 = arith.constant 0 : index
    %get3A_1 = vector.load %arg1[%get3A, %get3A_0] : memref<400x128xf32, #tpu.memory_space<vmem>>, vector<400x128xf32>
    %get3A_2 = arith.constant 0 : index
    %get3A_3 = arith.constant 0 : index
    %get3A_4 = vector.load %arg2[%get3A_2, %get3A_3] : memref<400x128xf32, #tpu.memory_space<vmem>>, vector<400x128xf32>
    %mul3A = arith.mulf %get3A_1, %get3A_4 : vector<400x128xf32>
    %swap3A = arith.constant 0 : index
    %swap3A_5 = arith.constant 0 : index
    %swap3A_6 = vector.load %arg3[%swap3A, %swap3A_5] : memref<400x128xf32, #tpu.memory_space<vmem>>, vector<400x128xf32>
    tpu.vector_store %arg3[%swap3A, %swap3A_5], %mul3A {strides = array<i32>} : memref<400x128xf32, #tpu.memory_space<vmem>>, vector<400x128xf32>,
    return
  }
  func.func @transform_0(%arg0: i32) -> (i32, i32) {
    %c0_i32 = arith.constant 0 : i32
    %c0_i32_0 = arith.constant 0 : i32
    return %arg0, %c0_i32 : i32, i32
  }
  func.func @transform_1(%arg0: i32) -> (i32, i32) {
    %c0_i32 = arith.constant 0 : i32
    %c0_i32_0 = arith.constant 0 : i32
    return %arg0, %c0_i32 : i32, i32
  }
  func.func @transform_2(%arg0: i32) -> (i32, i32) {
    %c0_i32 = arith.constant 0 : i32
    %c0_i32_0 = arith.constant 0 : i32
    return %arg0, %c0_i32 : i32, i32
  }
}

module attributes {stable_mosaic.version = 14 : i64} {
  func.func @_xsxd_body(%arg0: i32, %arg1: memref<400x128xf32, #tpu.memory_space<vmem>>, %arg2: memref<400x128xf32, #tpu.memory_space<vmem>>, %arg3: memref<400x128xf32, #tpu.memory_space<vmem>>, %arg4: memref<400x128xf32, #tpu.memory_space<vmem>>, %arg5: memref<1x128xf32, #tpu.memory_space<vmem>>, %arg6: memref<128x128xf32, #tpu.memory_space<vmem>>, %arg7: memref<128x128xf32, #tpu.memory_space<vmem>>, %arg8: memref<1x128xf32, #tpu.memory_space<vmem>>, %arg9: memref<40x10x128xf32, #tpu.memory_space<vmem>>, %arg10: memref<40x10x128xf32, #tpu.memory_space<vmem>>) attributes {dimension_semantics = [#tpu.dimension_semantics<arbitrary>], iteration_bounds = array<i64: 25>, scalar_prefetch = 0 : i64, scratch_operands = 0 : i64, tpu.core_type = #tpu.core_type<tc>, window_params = [{transform_indices = @transform_0, window_bounds = array<i64: 400, 128>}, {transform_indices = @transform_1, window_bounds = array<i64: 400, 128>}, {transform_indices = @transform_2, window_bounds = array<i64: 400, 128>}, {transform_indices = @transform_3, window_bounds = array<i64: 400, 128>}, {pipeline_mode = #tpu.pipeline_mode<synchronous>, transform_indices = @transform_4, window_bounds = array<i64: 1, 128>}, {pipeline_mode = #tpu.pipeline_mode<synchronous>, transform_indices = @transform_5, window_bounds = array<i64: 128, 128>}, {pipeline_mode = #tpu.pipeline_mode<synchronous>, transform_indices = @transform_6, window_bounds = array<i64: 128, 128>}, {pipeline_mode = #tpu.pipeline_mode<synchronous>, transform_indices = @transform_7, window_bounds = array<i64: 1, 128>}, {transform_indices = @transform_8, window_bounds = array<i64: 40, 10, 128>}, {transform_indices = @transform_9, window_bounds = array<i64: 40, 10, 128>}]} {
    %get3A = arith.constant 0 : index
    %get3A_0 = arith.constant 0 : index
    %get3A_1 = vector.load %arg3[%get3A, %get3A_0] : memref<400x128xf32, #tpu.memory_space<vmem>>, vector<400x128xf32>
    %get3A_2 = arith.constant 0 : index
    %get3A_3 = arith.constant 0 : index
    %get3A_4 = vector.load %arg1[%get3A_2, %get3A_3] : memref<400x128xf32, #tpu.memory_space<vmem>>, vector<400x128xf32>
    %get3A_5 = arith.constant 0 : index
    %get3A_6 = arith.constant 0 : index
    %get3A_7 = vector.load %arg2[%get3A_5, %get3A_6] : memref<400x128xf32, #tpu.memory_space<vmem>>, vector<400x128xf32>
    %add3A = arith.addf %get3A_4, %get3A_7 : vector<400x128xf32>
    %mul3A = arith.mulf %get3A_1, %add3A : vector<400x128xf32>
    %get3A_8 = arith.constant 0 : index
    %get3A_9 = arith.constant 0 : index
    %get3A_10 = vector.load %arg5[%get3A_8, %get3A_9] : memref<1x128xf32, #tpu.memory_space<vmem>>, vector<1x128xf32>
    %add3A_11 = vector.broadcast %get3A_10 : vector<1x128xf32> to vector<400x128xf32>
    %add3A_12 = arith.addf %mul3A, %add3A_11 : vector<400x128xf32>
    %max3A = arith.constant 0.000000e+00 : f32
    %max3A_13 = vector.broadcast %max3A : f32 to vector<400x128xf32>
    %max3A_14 = arith.maximumf %add3A_12, %max3A_13 : vector<400x128xf32>
    %get3A_15 = arith.constant 0 : index
    %get3A_16 = arith.constant 0 : index
    %get3A_17 = vector.load %arg4[%get3A_15, %get3A_16] : memref<400x128xf32, #tpu.memory_space<vmem>>, vector<400x128xf32>
    %add3A_18 = arith.addf %max3A_14, %get3A_17 : vector<400x128xf32>
    %get3A_19 = arith.constant 0 : index
    %get3A_20 = arith.constant 0 : index
    %get3A_21 = vector.load %arg6[%get3A_19, %get3A_20] : memref<128x128xf32, #tpu.memory_space<vmem>>, vector<128x128xf32>
    %dot_general3A = arith.constant dense<0.000000e+00> : vector<400x128xf32>
    %dot_general3A_22 = tpu.matmul %add3A_18, %get3A_21, %dot_general3A {dimension_numbers = #tpu.dot_dimension_numbers<[1], [0], [0], [1], [0, 0, 1, 1], [], []>, transpose_lhs_hint = false} : vector<400x128xf32>, vector<128x128xf32>, vector<400x128xf32> -> vector<400x128xf32>
    %get3A_23 = arith.constant 0 : index
    %get3A_24 = arith.constant 0 : index
    %get3A_25 = vector.load %arg8[%get3A_23, %get3A_24] : memref<1x128xf32, #tpu.memory_space<vmem>>, vector<1x128xf32>
    %add3A_26 = vector.broadcast %get3A_25 : vector<1x128xf32> to vector<400x128xf32>
    %add3A_27 = arith.addf %dot_general3A_22, %add3A_26 : vector<400x128xf32>
    %get3A_28 = arith.constant 0 : index
    %get3A_29 = arith.constant 0 : index
    %get3A_30 = vector.load %arg7[%get3A_28, %get3A_29] : memref<128x128xf32, #tpu.memory_space<vmem>>, vector<128x128xf32>
    %dot_general3A_31 = arith.constant dense<0.000000e+00> : vector<400x128xf32>
    %dot_general3A_32 = tpu.matmul %add3A_18, %get3A_30, %dot_general3A_31 {dimension_numbers = #tpu.dot_dimension_numbers<[1], [0], [0], [1], [0, 0, 1, 1], [], []>, transpose_lhs_hint = false} : vector<400x128xf32>, vector<128x128xf32>, vector<400x128xf32> -> vector<400x128xf32>
    %reshape3A = vector.shape_cast %add3A_27 : vector<400x128xf32> to vector<40x10x128xf32>
    %swap3A = arith.constant 0 : index
    %swap3A_33 = arith.constant 0 : index
    %swap3A_34 = arith.constant 0 : index
    %swap3A_35 = vector.load %arg9[%swap3A, %swap3A_33, %swap3A_34] : memref<40x10x128xf32, #tpu.memory_space<vmem>>, vector<40x10x128xf32>
    tpu.vector_store %arg9[%swap3A, %swap3A_33, %swap3A_34], %reshape3A {strides = array<i32>} : memref<40x10x128xf32, #tpu.memory_space<vmem>>, vector<40x10x128xf32>,
    %reshape3A_36 = vector.shape_cast %dot_general3A_32 : vector<400x128xf32> to vector<40x10x128xf32>
    %swap3A_37 = arith.constant 0 : index
    %swap3A_38 = arith.constant 0 : index
    %swap3A_39 = arith.constant 0 : index
    %swap3A_40 = vector.load %arg10[%swap3A_37, %swap3A_38, %swap3A_39] : memref<40x10x128xf32, #tpu.memory_space<vmem>>, vector<40x10x128xf32>
    tpu.vector_store %arg10[%swap3A_37, %swap3A_38, %swap3A_39], %reshape3A_36 {strides = array<i32>} : memref<40x10x128xf32, #tpu.memory_space<vmem>>, vector<40x10x128xf32>,
    return
  }
  func.func @transform_0(%arg0: i32) -> (i32, i32) {
    %c0_i32 = arith.constant 0 : i32
    %c0_i32_0 = arith.constant 0 : i32
    return %arg0, %c0_i32 : i32, i32
  }
  func.func @transform_1(%arg0: i32) -> (i32, i32) {
    %c0_i32 = arith.constant 0 : i32
    %c0_i32_0 = arith.constant 0 : i32
    return %arg0, %c0_i32 : i32, i32
  }
  func.func @transform_2(%arg0: i32) -> (i32, i32) {
    %c0_i32 = arith.constant 0 : i32
    %c0_i32_0 = arith.constant 0 : i32
    return %arg0, %c0_i32 : i32, i32
  }
  func.func @transform_3(%arg0: i32) -> (i32, i32) {
    %c0_i32 = arith.constant 0 : i32
    %c0_i32_0 = arith.constant 0 : i32
    return %arg0, %c0_i32 : i32, i32
  }
  func.func @transform_4(%arg0: i32) -> (i32, i32) {
    %c0_i32 = arith.constant 0 : i32
    %c0_i32_0 = arith.constant 0 : i32
    %c0_i32_1 = arith.constant 0 : i32
    return %c0_i32, %c0_i32_0 : i32, i32
  }
  func.func @transform_5(%arg0: i32) -> (i32, i32) {
    %c0_i32 = arith.constant 0 : i32
    %c0_i32_0 = arith.constant 0 : i32
    %c0_i32_1 = arith.constant 0 : i32
    return %c0_i32, %c0_i32_0 : i32, i32
  }
  func.func @transform_6(%arg0: i32) -> (i32, i32) {
    %c0_i32 = arith.constant 0 : i32
    %c0_i32_0 = arith.constant 0 : i32
    %c0_i32_1 = arith.constant 0 : i32
    return %c0_i32, %c0_i32_0 : i32, i32
  }
  func.func @transform_7(%arg0: i32) -> (i32, i32) {
    %c0_i32 = arith.constant 0 : i32
    %c0_i32_0 = arith.constant 0 : i32
    %c0_i32_1 = arith.constant 0 : i32
    return %c0_i32, %c0_i32_0 : i32, i32
  }
  func.func @transform_8(%arg0: i32) -> (i32, i32, i32) {
    %c0_i32 = arith.constant 0 : i32
    %c0_i32_0 = arith.constant 0 : i32
    %c0_i32_1 = arith.constant 0 : i32
    return %arg0, %c0_i32, %c0_i32_0 : i32, i32, i32
  }
  func.func @transform_9(%arg0: i32) -> (i32, i32, i32) {
    %c0_i32 = arith.constant 0 : i32
    %c0_i32_0 = arith.constant 0 : i32
    %c0_i32_1 = arith.constant 0 : i32
    return %arg0, %c0_i32, %c0_i32_0 : i32, i32, i32
  }
}

module attributes {stable_mosaic.version = 14 : i64} {
  func.func @_act_body(%arg0: i32, %arg1: memref<40x10x128xf32, #tpu.memory_space<vmem>>, %arg2: memref<40x10x128xf32, #tpu.memory_space<vmem>>, %arg3: memref<1x128xf32, #tpu.memory_space<vmem>>, %arg4: memref<1x128xf32, #tpu.memory_space<vmem>>, %arg5: memref<1x2xf32, #tpu.memory_space<vmem>>, %arg6: memref<40x100xf32, #tpu.memory_space<vmem>>, %arg7: memref<40x100xf32, #tpu.memory_space<vmem>>) attributes {dimension_semantics = [#tpu.dimension_semantics<arbitrary>], iteration_bounds = array<i64: 25>, scalar_prefetch = 0 : i64, scratch_operands = 0 : i64, tpu.core_type = #tpu.core_type<tc>, window_params = [{transform_indices = @transform_0, window_bounds = array<i64: 40, 10, 128>}, {transform_indices = @transform_1, window_bounds = array<i64: 40, 10, 128>}, {pipeline_mode = #tpu.pipeline_mode<synchronous>, transform_indices = @transform_2, window_bounds = array<i64: 1, 128>}, {pipeline_mode = #tpu.pipeline_mode<synchronous>, transform_indices = @transform_3, window_bounds = array<i64: 1, 128>}, {pipeline_mode = #tpu.pipeline_mode<synchronous>, transform_indices = @transform_4, window_bounds = array<i64: 1, 2>}, {transform_indices = @transform_5, window_bounds = array<i64: 40, 100>}, {transform_indices = @transform_6, window_bounds = array<i64: 40, 100>}]} {
    %get3A = arith.constant 0 : index
    %get3A_0 = arith.constant 0 : index
    %get3A_1 = arith.constant 0 : index
    %get3A_2 = vector.load %arg2[%get3A, %get3A_0, %get3A_1] : memref<40x10x128xf32, #tpu.memory_space<vmem>>, vector<40x10x128xf32>
    %get3A_3 = arith.constant 0 : index
    %get3A_4 = arith.constant 0 : index
    %get3A_5 = vector.load %arg3[%get3A_3, %get3A_4] : memref<1x128xf32, #tpu.memory_space<vmem>>, vector<1x128xf32>
    %broadcast_in_dim3A = vector.shape_cast %get3A_5 : vector<1x128xf32> to vector<1x1x128xf32>
    %get3A_6 = arith.constant 0 : index
    %get3A_7 = arith.constant 0 : index
    %get3A_8 = vector.load %arg4[%get3A_6, %get3A_7] : memref<1x128xf32, #tpu.memory_space<vmem>>, vector<1x128xf32>
    %broadcast_in_dim3A_9 = vector.shape_cast %get3A_8 : vector<1x128xf32> to vector<1x1x128xf32>
    %get3A_10 = arith.constant 0 : index
    %get3A_11 = arith.constant 0 : index
    %get3A_12 = vector.load %arg5[%get3A_10, %get3A_11] : memref<1x2xf32, #tpu.memory_space<vmem>>, vector<1x1xf32>
    %get3A_13 = arith.constant 0 : index
    %get3A_14 = arith.constant 1 : index
    %get3A_15 = vector.load %arg5[%get3A_13, %get3A_14] : memref<1x2xf32, #tpu.memory_space<vmem>>, vector<1x1xf32>
    %get3A_16 = arith.constant 0 : index
    %get3A_17 = arith.constant 0 : index
    %get3A_18 = arith.constant 0 : index
    %get3A_19 = vector.load %arg1[%get3A_16, %get3A_17, %get3A_18] : memref<40x10x128xf32, #tpu.memory_space<vmem>>, vector<40x1x128xf32>
    %add3A = vector.broadcast %get3A_19 : vector<40x1x128xf32> to vector<40x10x128xf32>
    %add3A_20 = arith.addf %add3A, %get3A_2 : vector<40x10x128xf32>
    %get3A_21 = arith.constant 0 : index
    %get3A_22 = arith.constant 1 : index
    %get3A_23 = arith.constant 0 : index
    %get3A_24 = vector.load %arg1[%get3A_21, %get3A_22, %get3A_23] : memref<40x10x128xf32, #tpu.memory_space<vmem>>, vector<40x1x128xf32>
    %add3A_25 = vector.broadcast %get3A_24 : vector<40x1x128xf32> to vector<40x10x128xf32>
    %add3A_26 = arith.addf %add3A_25, %get3A_2 : vector<40x10x128xf32>
    %get3A_27 = arith.constant 0 : index
    %get3A_28 = arith.constant 2 : index
    %get3A_29 = arith.constant 0 : index
    %get3A_30 = vector.load %arg1[%get3A_27, %get3A_28, %get3A_29] : memref<40x10x128xf32, #tpu.memory_space<vmem>>, vector<40x1x128xf32>
    %add3A_31 = vector.broadcast %get3A_30 : vector<40x1x128xf32> to vector<40x10x128xf32>
    %add3A_32 = arith.addf %add3A_31, %get3A_2 : vector<40x10x128xf32>
    %get3A_33 = arith.constant 0 : index
    %get3A_34 = arith.constant 3 : index
    %get3A_35 = arith.constant 0 : index
    %get3A_36 = vector.load %arg1[%get3A_33, %get3A_34, %get3A_35] : memref<40x10x128xf32, #tpu.memory_space<vmem>>, vector<40x1x128xf32>
    %add3A_37 = vector.broadcast %get3A_36 : vector<40x1x128xf32> to vector<40x10x128xf32>
    %add3A_38 = arith.addf %add3A_37, %get3A_2 : vector<40x10x128xf32>
    %concatenate3A = tpu.concatenate %add3A_20, %add3A_26, %add3A_32, %add3A_38 in 1 : vector<40x10x128xf32>, vector<40x10x128xf32>, vector<40x10x128xf32>, vector<40x10x128xf32> -> vector<40x40x128xf32>
    %ge3A = arith.constant 0.000000e+00 : f32
    %ge3A_39 = vector.broadcast %ge3A : f32 to vector<40x40x128xf32>
    %ge3A_40 = arith.cmpf oge, %concatenate3A, %ge3A_39 : vector<40x40x128xf32>
    %mul3A = arith.constant 0.00999999977 : f32
    %mul3A_41 = vector.broadcast %mul3A : f32 to vector<40x40x128xf32>
    %mul3A_42 = arith.mulf %mul3A_41, %concatenate3A : vector<40x40x128xf32>
    %select_n3A = arith.select %ge3A_40, %concatenate3A, %mul3A_42 : vector<40x40x128xi1>, vector<40x40x128xf32>
    %mul3A_43 = vector.broadcast %broadcast_in_dim3A : vector<1x1x128xf32> to vector<40x40x128xf32>
    %mul3A_44 = arith.mulf %select_n3A, %mul3A_43 : vector<40x40x128xf32>
    %reduce_sum3A = arith.constant dense<0.000000e+00> : vector<40x40xf32>
    %reduce_sum3A_45 = vector.multi_reduction <add>, %mul3A_44, %reduce_sum3A [2] : vector<40x40x128xf32> to vector<40x40xf32>
    %add3A_46 = vector.broadcast %get3A_12 : vector<1x1xf32> to vector<40x40xf32>
    %add3A_47 = arith.addf %reduce_sum3A_45, %add3A_46 : vector<40x40xf32>
    %swap3A = arith.constant 0 : index
    %swap3A_48 = arith.constant 0 : index
    %swap3A_49 = vector.load %arg6[%swap3A, %swap3A_48] : memref<40x100xf32, #tpu.memory_space<vmem>>, vector<40x40xf32>
    tpu.vector_store %arg6[%swap3A, %swap3A_48], %add3A_47 {strides = array<i32>} : memref<40x100xf32, #tpu.memory_space<vmem>>, vector<40x40xf32>,
    %mul3A_50 = vector.broadcast %broadcast_in_dim3A_9 : vector<1x1x128xf32> to vector<40x40x128xf32>
    %mul3A_51 = arith.mulf %select_n3A, %mul3A_50 : vector<40x40x128xf32>
    %reduce_sum3A_52 = arith.constant dense<0.000000e+00> : vector<40x40xf32>
    %reduce_sum3A_53 = vector.multi_reduction <add>, %mul3A_51, %reduce_sum3A_52 [2] : vector<40x40x128xf32> to vector<40x40xf32>
    %add3A_54 = vector.broadcast %get3A_15 : vector<1x1xf32> to vector<40x40xf32>
    %add3A_55 = arith.addf %reduce_sum3A_53, %add3A_54 : vector<40x40xf32>
    %swap3A_56 = arith.constant 0 : index
    %swap3A_57 = arith.constant 0 : index
    %swap3A_58 = vector.load %arg7[%swap3A_56, %swap3A_57] : memref<40x100xf32, #tpu.memory_space<vmem>>, vector<40x40xf32>
    tpu.vector_store %arg7[%swap3A_56, %swap3A_57], %add3A_55 {strides = array<i32>} : memref<40x100xf32, #tpu.memory_space<vmem>>, vector<40x40xf32>,
    %get3A_59 = arith.constant 0 : index
    %get3A_60 = arith.constant 4 : index
    %get3A_61 = arith.constant 0 : index
    %get3A_62 = vector.load %arg1[%get3A_59, %get3A_60, %get3A_61] : memref<40x10x128xf32, #tpu.memory_space<vmem>>, vector<40x1x128xf32>
    %add3A_63 = vector.broadcast %get3A_62 : vector<40x1x128xf32> to vector<40x10x128xf32>
    %add3A_64 = arith.addf %add3A_63, %get3A_2 : vector<40x10x128xf32>
    %get3A_65 = arith.constant 0 : index
    %get3A_66 = arith.constant 5 : index
    %get3A_67 = arith.constant 0 : index
    %get3A_68 = vector.load %arg1[%get3A_65, %get3A_66, %get3A_67] : memref<40x10x128xf32, #tpu.memory_space<vmem>>, vector<40x1x128xf32>
    %add3A_69 = vector.broadcast %get3A_68 : vector<40x1x128xf32> to vector<40x10x128xf32>
    %add3A_70 = arith.addf %add3A_69, %get3A_2 : vector<40x10x128xf32>
    %get3A_71 = arith.constant 0 : index
    %get3A_72 = arith.constant 6 : index
    %get3A_73 = arith.constant 0 : index
    %get3A_74 = vector.load %arg1[%get3A_71, %get3A_72, %get3A_73] : memref<40x10x128xf32, #tpu.memory_space<vmem>>, vector<40x1x128xf32>
    %add3A_75 = vector.broadcast %get3A_74 : vector<40x1x128xf32> to vector<40x10x128xf32>
    %add3A_76 = arith.addf %add3A_75, %get3A_2 : vector<40x10x128xf32>
    %get3A_77 = arith.constant 0 : index
    %get3A_78 = arith.constant 7 : index
    %get3A_79 = arith.constant 0 : index
    %get3A_80 = vector.load %arg1[%get3A_77, %get3A_78, %get3A_79] : memref<40x10x128xf32, #tpu.memory_space<vmem>>, vector<40x1x128xf32>
    %add3A_81 = vector.broadcast %get3A_80 : vector<40x1x128xf32> to vector<40x10x128xf32>
    %add3A_82 = arith.addf %add3A_81, %get3A_2 : vector<40x10x128xf32>
    %concatenate3A_83 = tpu.concatenate %add3A_64, %add3A_70, %add3A_76, %add3A_82 in 1 : vector<40x10x128xf32>, vector<40x10x128xf32>, vector<40x10x128xf32>, vector<40x10x128xf32> -> vector<40x40x128xf32>
    %ge3A_84 = arith.constant 0.000000e+00 : f32
    %ge3A_85 = vector.broadcast %ge3A_84 : f32 to vector<40x40x128xf32>
    %ge3A_86 = arith.cmpf oge, %concatenate3A_83, %ge3A_85 : vector<40x40x128xf32>
    %mul3A_87 = arith.constant 0.00999999977 : f32
    %mul3A_88 = vector.broadcast %mul3A_87 : f32 to vector<40x40x128xf32>
    %mul3A_89 = arith.mulf %mul3A_88, %concatenate3A_83 : vector<40x40x128xf32>
    %select_n3A_90 = arith.select %ge3A_86, %concatenate3A_83, %mul3A_89 : vector<40x40x128xi1>, vector<40x40x128xf32>
    %mul3A_91 = vector.broadcast %broadcast_in_dim3A : vector<1x1x128xf32> to vector<40x40x128xf32>
    %mul3A_92 = arith.mulf %select_n3A_90, %mul3A_91 : vector<40x40x128xf32>
    %reduce_sum3A_93 = arith.constant dense<0.000000e+00> : vector<40x40xf32>
    %reduce_sum3A_94 = vector.multi_reduction <add>, %mul3A_92, %reduce_sum3A_93 [2] : vector<40x40x128xf32> to vector<40x40xf32>
    %add3A_95 = vector.broadcast %get3A_12 : vector<1x1xf32> to vector<40x40xf32>
    %add3A_96 = arith.addf %reduce_sum3A_94, %add3A_95 : vector<40x40xf32>
    %swap3A_97 = arith.constant 0 : index
    %swap3A_98 = arith.constant 40 : index
    %swap3A_99 = vector.load %arg6[%swap3A_97, %swap3A_98] : memref<40x100xf32, #tpu.memory_space<vmem>>, vector<40x40xf32>
    tpu.vector_store %arg6[%swap3A_97, %swap3A_98], %add3A_96 {strides = array<i32>} : memref<40x100xf32, #tpu.memory_space<vmem>>, vector<40x40xf32>,
    %mul3A_100 = vector.broadcast %broadcast_in_dim3A_9 : vector<1x1x128xf32> to vector<40x40x128xf32>
    %mul3A_101 = arith.mulf %select_n3A_90, %mul3A_100 : vector<40x40x128xf32>
    %reduce_sum3A_102 = arith.constant dense<0.000000e+00> : vector<40x40xf32>
    %reduce_sum3A_103 = vector.multi_reduction <add>, %mul3A_101, %reduce_sum3A_102 [2] : vector<40x40x128xf32> to vector<40x40xf32>
    %add3A_104 = vector.broadcast %get3A_15 : vector<1x1xf32> to vector<40x40xf32>
    %add3A_105 = arith.addf %reduce_sum3A_103, %add3A_104 : vector<40x40xf32>
    %swap3A_106 = arith.constant 0 : index
    %swap3A_107 = arith.constant 40 : index
    %swap3A_108 = vector.load %arg7[%swap3A_106, %swap3A_107] : memref<40x100xf32, #tpu.memory_space<vmem>>, vector<40x40xf32>
    tpu.vector_store %arg7[%swap3A_106, %swap3A_107], %add3A_105 {strides = array<i32>} : memref<40x100xf32, #tpu.memory_space<vmem>>, vector<40x40xf32>,
    %get3A_109 = arith.constant 0 : index
    %get3A_110 = arith.constant 8 : index
    %get3A_111 = arith.constant 0 : index
    %get3A_112 = vector.load %arg1[%get3A_109, %get3A_110, %get3A_111] : memref<40x10x128xf32, #tpu.memory_space<vmem>>, vector<40x1x128xf32>
    %add3A_113 = vector.broadcast %get3A_112 : vector<40x1x128xf32> to vector<40x10x128xf32>
    %add3A_114 = arith.addf %add3A_113, %get3A_2 : vector<40x10x128xf32>
    %get3A_115 = arith.constant 0 : index
    %get3A_116 = arith.constant 9 : index
    %get3A_117 = arith.constant 0 : index
    %get3A_118 = vector.load %arg1[%get3A_115, %get3A_116, %get3A_117] : memref<40x10x128xf32, #tpu.memory_space<vmem>>, vector<40x1x128xf32>
    %add3A_119 = vector.broadcast %get3A_118 : vector<40x1x128xf32> to vector<40x10x128xf32>
    %add3A_120 = arith.addf %add3A_119, %get3A_2 : vector<40x10x128xf32>
    %concatenate3A_121 = tpu.concatenate %add3A_114, %add3A_120 in 1 : vector<40x10x128xf32>, vector<40x10x128xf32> -> vector<40x20x128xf32>
    %ge3A_122 = arith.constant 0.000000e+00 : f32
    %ge3A_123 = vector.broadcast %ge3A_122 : f32 to vector<40x20x128xf32>
    %ge3A_124 = arith.cmpf oge, %concatenate3A_121, %ge3A_123 : vector<40x20x128xf32>
    %mul3A_125 = arith.constant 0.00999999977 : f32
    %mul3A_126 = vector.broadcast %mul3A_125 : f32 to vector<40x20x128xf32>
    %mul3A_127 = arith.mulf %mul3A_126, %concatenate3A_121 : vector<40x20x128xf32>
    %select_n3A_128 = arith.select %ge3A_124, %concatenate3A_121, %mul3A_127 : vector<40x20x128xi1>, vector<40x20x128xf32>
    %mul3A_129 = vector.broadcast %broadcast_in_dim3A : vector<1x1x128xf32> to vector<40x20x128xf32>
    %mul3A_130 = arith.mulf %select_n3A_128, %mul3A_129 : vector<40x20x128xf32>
    %reduce_sum3A_131 = arith.constant dense<0.000000e+00> : vector<40x20xf32>
    %reduce_sum3A_132 = vector.multi_reduction <add>, %mul3A_130, %reduce_sum3A_131 [2] : vector<40x20x128xf32> to vector<40x20xf32>
    %add3A_133 = vector.broadcast %get3A_12 : vector<1x1xf32> to vector<40x20xf32>
    %add3A_134 = arith.addf %reduce_sum3A_132, %add3A_133 : vector<40x20xf32>
    %swap3A_135 = arith.constant 0 : index
    %swap3A_136 = arith.constant 80 : index
    %swap3A_137 = vector.load %arg6[%swap3A_135, %swap3A_136] : memref<40x100xf32, #tpu.memory_space<vmem>>, vector<40x20xf32>
    tpu.vector_store %arg6[%swap3A_135, %swap3A_136], %add3A_134 {strides = array<i32>} : memref<40x100xf32, #tpu.memory_space<vmem>>, vector<40x20xf32>,
    %mul3A_138 = vector.broadcast %broadcast_in_dim3A_9 : vector<1x1x128xf32> to vector<40x20x128xf32>
    %mul3A_139 = arith.mulf %select_n3A_128, %mul3A_138 : vector<40x20x128xf32>
    %reduce_sum3A_140 = arith.constant dense<0.000000e+00> : vector<40x20xf32>
    %reduce_sum3A_141 = vector.multi_reduction <add>, %mul3A_139, %reduce_sum3A_140 [2] : vector<40x20x128xf32> to vector<40x20xf32>
    %add3A_142 = vector.broadcast %get3A_15 : vector<1x1xf32> to vector<40x20xf32>
    %add3A_143 = arith.addf %reduce_sum3A_141, %add3A_142 : vector<40x20xf32>
    %swap3A_144 = arith.constant 0 : index
    %swap3A_145 = arith.constant 80 : index
    %swap3A_146 = vector.load %arg7[%swap3A_144, %swap3A_145] : memref<40x100xf32, #tpu.memory_space<vmem>>, vector<40x20xf32>
    tpu.vector_store %arg7[%swap3A_144, %swap3A_145], %add3A_143 {strides = array<i32>} : memref<40x100xf32, #tpu.memory_space<vmem>>, vector<40x20xf32>,
    return
  }
  func.func @transform_0(%arg0: i32) -> (i32, i32, i32) {
    %c0_i32 = arith.constant 0 : i32
    %c0_i32_0 = arith.constant 0 : i32
    %c0_i32_1 = arith.constant 0 : i32
    return %arg0, %c0_i32, %c0_i32_0 : i32, i32, i32
  }
  func.func @transform_1(%arg0: i32) -> (i32, i32, i32) {
    %c0_i32 = arith.constant 0 : i32
    %c0_i32_0 = arith.constant 0 : i32
    %c0_i32_1 = arith.constant 0 : i32
    return %arg0, %c0_i32, %c0_i32_0 : i32, i32, i32
  }
  func.func @transform_2(%arg0: i32) -> (i32, i32) {
    %c0_i32 = arith.constant 0 : i32
    %c0_i32_0 = arith.constant 0 : i32
    %c0_i32_1 = arith.constant 0 : i32
    return %c0_i32, %c0_i32_0 : i32, i32
  }
  func.func @transform_3(%arg0: i32) -> (i32, i32) {
    %c0_i32 = arith.constant 0 : i32
    %c0_i32_0 = arith.constant 0 : i32
    %c0_i32_1 = arith.constant 0 : i32
    return %c0_i32, %c0_i32_0 : i32, i32
  }
  func.func @transform_4(%arg0: i32) -> (i32, i32) {
    %c0_i32 = arith.constant 0 : i32
    %c0_i32_0 = arith.constant 0 : i32
    %c0_i32_1 = arith.constant 0 : i32
    return %c0_i32, %c0_i32_0 : i32, i32
  }
  func.func @transform_5(%arg0: i32) -> (i32, i32) {
    %c0_i32 = arith.constant 0 : i32
    %c0_i32_0 = arith.constant 0 : i32
    return %arg0, %c0_i32 : i32, i32
  }
  func.func @transform_6(%arg0: i32) -> (i32, i32) {
    %c0_i32 = arith.constant 0 : i32
    %c0_i32_0 = arith.constant 0 : i32
    return %arg0, %c0_i32 : i32, i32
  }
}

module attributes {stable_mosaic.version = 14 : i64} {
  func.func @_ratio_body(%arg0: i32, %arg1: memref<200x100xf32, #tpu.memory_space<vmem>>, %arg2: memref<200x100xf32, #tpu.memory_space<vmem>>, %arg3: memref<200x100xf32, #tpu.memory_space<vmem>>) attributes {dimension_semantics = [#tpu.dimension_semantics<arbitrary>], iteration_bounds = array<i64: 5>, scalar_prefetch = 0 : i64, scratch_operands = 0 : i64, tpu.core_type = #tpu.core_type<tc>, window_params = [{transform_indices = @transform_0, window_bounds = array<i64: 200, 100>}, {transform_indices = @transform_1, window_bounds = array<i64: 200, 100>}, {transform_indices = @transform_2, window_bounds = array<i64: 200, 100>}]} {
    %get3A = arith.constant 0 : index
    %get3A_0 = arith.constant 0 : index
    %get3A_1 = vector.load %arg1[%get3A, %get3A_0] : memref<200x100xf32, #tpu.memory_space<vmem>>, vector<200x100xf32>
    %max3A = arith.constant 0.000000e+00 : f32
    %max3A_2 = vector.broadcast %max3A : f32 to vector<200x100xf32>
    %max3A_3 = arith.maximumf %get3A_1, %max3A_2 : vector<200x100xf32>
    %abs3A = math.absf %get3A_1 : vector<200x100xf32>
    %neg3A = arith.constant 0.000000e+00 : f32
    %neg3A_4 = vector.broadcast %neg3A : f32 to vector<200x100xf32>
    %neg3A_5 = arith.subf %neg3A_4, %abs3A : vector<200x100xf32>
    %exp3A = math.exp %neg3A_5 : vector<200x100xf32>
    %log1p3A = math.log1p %exp3A : vector<200x100xf32>
    %add3A = arith.addf %max3A_3, %log1p3A : vector<200x100xf32>
    %get3A_6 = arith.constant 0 : index
    %get3A_7 = arith.constant 0 : index
    %get3A_8 = vector.load %arg2[%get3A_6, %get3A_7] : memref<200x100xf32, #tpu.memory_space<vmem>>, vector<200x100xf32>
    %max3A_9 = arith.constant 0.000000e+00 : f32
    %max3A_10 = vector.broadcast %max3A_9 : f32 to vector<200x100xf32>
    %max3A_11 = arith.maximumf %get3A_8, %max3A_10 : vector<200x100xf32>
    %abs3A_12 = math.absf %get3A_8 : vector<200x100xf32>
    %neg3A_13 = arith.constant 0.000000e+00 : f32
    %neg3A_14 = vector.broadcast %neg3A_13 : f32 to vector<200x100xf32>
    %neg3A_15 = arith.subf %neg3A_14, %abs3A_12 : vector<200x100xf32>
    %exp3A_16 = math.exp %neg3A_15 : vector<200x100xf32>
    %log1p3A_17 = math.log1p %exp3A_16 : vector<200x100xf32>
    %add3A_18 = arith.addf %max3A_11, %log1p3A_17 : vector<200x100xf32>
    %add3A_19 = arith.addf %add3A, %add3A_18 : vector<200x100xf32>
    %add3A_20 = arith.constant 1.000000e-10 : f32
    %add3A_21 = vector.broadcast %add3A_20 : f32 to vector<200x100xf32>
    %add3A_22 = arith.addf %add3A_19, %add3A_21 : vector<200x100xf32>
    %div3A = arith.divf %add3A, %add3A_22 : vector<200x100xf32>
    %lt3A = arith.constant 0.000000e+00 : f32
    %lt3A_23 = vector.broadcast %lt3A : f32 to vector<200x100xf32>
    %lt3A_24 = arith.cmpf olt, %div3A, %lt3A_23 : vector<200x100xf32>
    %jit3A = arith.constant 0.000000e+00 : f32
    %broadcast_in_dim3A = vector.broadcast %jit3A : f32 to vector<200x100xf32>
    %select_n3A = arith.select %lt3A_24, %broadcast_in_dim3A, %div3A : vector<200x100xi1>, vector<200x100xf32>
    %swap3A = arith.constant 0 : index
    %swap3A_25 = arith.constant 0 : index
    %swap3A_26 = vector.load %arg3[%swap3A, %swap3A_25] : memref<200x100xf32, #tpu.memory_space<vmem>>, vector<200x100xf32>
    tpu.vector_store %arg3[%swap3A, %swap3A_25], %select_n3A {strides = array<i32>} : memref<200x100xf32, #tpu.memory_space<vmem>>, vector<200x100xf32>,
    return
  }
  func.func @transform_0(%arg0: i32) -> (i32, i32) {
    %c0_i32 = arith.constant 0 : i32
    %c0_i32_0 = arith.constant 0 : i32
    return %arg0, %c0_i32 : i32, i32
  }
  func.func @transform_1(%arg0: i32) -> (i32, i32) {
    %c0_i32 = arith.constant 0 : i32
    %c0_i32_0 = arith.constant 0 : i32
    return %arg0, %c0_i32 : i32, i32
  }
  func.func @transform_2(%arg0: i32) -> (i32, i32) {
    %c0_i32 = arith.constant 0 : i32
    %c0_i32_0 = arith.constant 0 : i32
    return %arg0, %c0_i32 : i32, i32
  }
}

</mosaic_0001>

<sc_bundles>
// kernel: kernel.10.cloned.1.call-start
scs
__scs_entry_jumppad:
0x0: {  	(pc) =	sbr.rel $0x88, $3  }
0x1: {  	(tag) =	ssettag $0x0;
	lr =	simm.s32 $0x1  }
0x2: {  	[smem:$0x3F99] =	sst lr;
	_ =	strace $0xD0000000  }
0x3: {  	_ = 	snop  }
0x4: {  	_ = 	snop  }
0x5: {  	_ = 	snop  }
0x6: {  	_ = 	snop  }
0x7: {  	_ = 	snop  }
__scs_overlays_trampoline_lowered:
0x8: {  	[smem:$0x3FA8] =	sst s0  }
0x9: {  	[smem:$0x3FA9] =	sst s1  }
0xa: {  	[smem:$0x3FAA] =	sst s2  }
0xb: {  	[smem:$0x3FAB] =	sst s3  }
0xc: {  	[smem:$0x3FAC] =	sst s4  }
0xd: {  	[smem:$0x3FAD] =	sst s5  }
0xe: {  	[smem:$0x3FAE] =	sst s6  }
0xf: {  	[smem:$0x3FAF] =	sst s7  }
0x10: {  	[smem:$0x3FB0] =	sst s8  }
0x11: {  	[smem:$0x3FB1] =	sst s9;
	s0 =	simm.s32 @!p0 $0x0  }
0x12: {  	s1 =	sld [smem:$0x3F97];
	s0 =	simm.s32 @p0 $0x1  }
0x13: {  	[smem:$0x3FB2] =	sst s0;
	s0 =	simm.s32 @!p1 $0x0  }
0x14: {  	s2 =	sld [smem:$0x3F96];
	s0 =	simm.s32 @p1 $0x1  }
0x15: {  	[smem:$0x3FB3] =	sst s0;
	s0 =	simm.s32 @!p2 $0x0  }
0x16: {  	s3 =	sld [smem:$0x3FDB];
	s0 =	simm.s32 @p2 $0x1  }
0x17: {  	s4 =	simm.s32 $0x1BF5;
	[smem:$0x3FB5] =	sst s0  }
0x18: {  	s0 =	sld [smem:$0x3F98];
	_ =	swait.ge [sflag:s4], $0x0  }
0x19: {  	s7 =	sld [smem:$0x3F99]  }
0x1a: {  	s8 =	sadd.s32 $0xFFFFE003, lr  }
0x1b: {  	s9 =	sadd.s32 $0xFFFFFEF7, lr;
	s5 =	simm.s32 $0xFFFFFFFF;
	p2 =	slt.u32 s8, $0xFFFFF086  }
0x1c: {  	p1 =	slt.u32 s9, $0xF7A;
	s5 =	simm.s32 @!p2 $0x0  }
0x1d: {  	s5 =	simm.s32 @p1 $0x1;
	p0 =	seq.s32 s7, s2  }
0x1e: {  	s7 =	smul.u32 @!p0 $0xF7A, s2;
	p2 =	seq.s32 @!p0 s5, $0x0  }
0x1f: {  	s9 =	smul.u32 $0xF7A, s1;
	s8 =	simm.s32 @!p0 $0x1BF5;
	p2 =	por !p2, p0  }
0x20: {  	[sflag:s8] =	ssyncset.s32 @!p0 $0xFFFFF086;
	s6 =	sadd.s32 @!p0 s3, s7;
	s7 =	simm.s32 @!p0 $0x108  }
0x21: {  	s3 =	sadd.s32 s3, s9;
	s6 =	sadd.s32 @!p0 $0x88, s6;
	s7 =	simm.s32 @p2 $0x1082  }
0x22: {  	[simem:s7], [sflag:s8] =	dma.local @!p0 [hbm:s6], $0xF7A  }
0x23: {  	s9 =	sor.u32 $0xD0000000, s2;
	s6 =	simm.s32 $0x108;
	_ =	swait.ge @!p0 [sflag:s8], $0x0  }
0x24: {  	s3 =	sadd.s32 $0x88, s3;
	s6 =	simm.s32 @!p1 $0x1082;
	[sflag:s4] =	ssyncset.s32 $0xFFFFF086  }
0x25: {  	[simem:s6], [sflag:s4] =	dma.local [hbm:s3], $0xF7A  }
0x26: {  	[smem:$0x3F99] =	sst s1;
	(tag) =	ssettag s2;
	_ =	strace s9  }
0x27: {  	s1 =	sld [smem:$0x3FA9]  }
0x28: {  	s2 =	sld [smem:$0x3FAA]  }
0x29: {  	s4 =	sld [smem:$0x3FAC]  }
0x2a: {  	p0 =	seq.s32 s5, $0x0;
	s5 =	sld [smem:$0x3FAD]  }
0x2b: {  	s6 =	sld [smem:$0x3FAE]  }
0x2c: {  	s7 =	sld [smem:$0x3FAF]  }
0x2d: {  	s3 =	simm.s32 $0x108;
	s8 =	sld [smem:$0x3FB0]  }
0x2e: {  	s3 =	simm.s32 @!p0 $0x1082;
	s9 =	sld [smem:$0x3FB1]  }
0x2f: {  	lr =	sadd.s32 s0, s3;
	s0 =	sld [smem:$0x3FA8]  }
0x30: {  	s3 =	sld [smem:$0x3FAB]  }
0x31: {  	[smem:$0x3FB4] =	sst s10  }
0x32: {  	s10 =	sld [smem:$0x3FB2];
	_ =	sdelay $0x3  }
0x33: {  	p0 =	seq.s32 s10, $0x1;
	s10 =	sld [smem:$0x3FB4];
	_ =	sdelay $0x3  }
0x34: {  	[smem:$0x3FB4] =	sst s10  }
0x35: {  	s10 =	sld [smem:$0x3FB3];
	_ =	sdelay $0x3  }
0x36: {  	p1 =	seq.s32 s10, $0x1;
	s10 =	sld [smem:$0x3FB4];
	_ =	sdelay $0x3  }
0x37: {  	[smem:$0x3FB4] =	sst s10  }
0x38: {  	s10 =	sld [smem:$0x3FB5]  }
0x39: {  	_ = 	snop;
	(pc) =	sbr.ind lr, $3  }
0x3a: {  	_ = 	snop  }
0x3b: {  	_ = 	snop  }
0x3c: {  	p2 =	seq.s32 s10, $0x1;
	s10 =	sld [smem:$0x3FB4]  }
0x3d: {  	_ =	shalt  }
0x3e: {  	_ =	shalt  }
0x3f: {  	_ =	shalt  }
0x40: {  	_ =	shalt  }
0x41: {  	_ =	shalt  }
0x42: {  	_ =	shalt  }
0x43: {  	_ =	shalt  }
0x44: {  	_ =	shalt  }
0x45: {  	_ =	shalt  }
0x46: {  	_ =	shalt  }
0x47: {  	_ =	shalt  }
0x48: {  	_ =	shalt  }
0x49: {  	_ =	shalt  }
0x4a: {  	_ =	shalt  }
0x4b: {  	_ =	shalt  }
0x4c: {  	_ =	shalt  }
0x4d: {  	_ =	shalt  }
0x4e: {  	_ =	shalt  }
0x4f: {  	_ =	shalt  }
0x50: {  	_ =	shalt  }
0x51: {  	_ =	shalt  }
0x52: {  	_ =	shalt  }
0x53: {  	_ =	shalt  }
0x54: {  	_ =	shalt  }
0x55: {  	_ =	shalt  }
0x56: {  	_ =	shalt  }
0x57: {  	_ =	shalt  }
0x58: {  	_ =	shalt  }
0x59: {  	_ =	shalt  }
0x5a: {  	_ =	shalt  }
0x5b: {  	_ =	shalt  }
0x5c: {  	_ =	shalt  }
0x5d: {  	_ =	shalt  }
0x5e: {  	_ =	shalt  }
0x5f: {  	_ =	shalt  }
0x60: {  	_ =	shalt  }
0x61: {  	_ =	shalt  }
0x62: {  	_ =	shalt  }
0x63: {  	_ =	shalt  }
0x64: {  	_ =	shalt  }
0x65: {  	_ =	shalt  }
0x66: {  	_ =	shalt  }
0x67: {  	_ =	shalt  }
0x68: {  	_ =	shalt  }
0x69: {  	_ =	shalt  }
0x6a: {  	_ =	shalt  }
0x6b: {  	_ =	shalt  }
0x6c: {  	_ =	shalt  }
0x6d: {  	_ =	shalt  }
0x6e: {  	_ =	shalt  }
0x6f: {  	_ =	shalt  }
0x70: {  	_ =	shalt  }
0x71: {  	_ =	shalt  }
0x72: {  	_ =	shalt  }
0x73: {  	_ =	shalt  }
0x74: {  	_ =	shalt  }
0x75: {  	_ =	shalt  }
0x76: {  	_ =	shalt  }
0x77: {  	_ =	shalt  }
0x78: {  	_ =	shalt  }
0x79: {  	_ =	shalt  }
0x7a: {  	_ =	shalt  }
0x7b: {  	_ =	shalt  }
0x7c: {  	_ =	shalt  }
0x7d: {  	_ =	shalt  }
0x7e: {  	_ =	shalt  }
0x7f: {  	_ =	shalt  }
0x80: {  	_ =	shalt  }
0x81: {  	_ =	shalt  }
0x82: {  	_ =	shalt  }
0x83: {  	_ =	shalt  }
0x84: {  	_ =	shalt  }
0x85: {  	_ =	shalt  }
0x86: {  	_ =	shalt  }
0x87: {  	_ =	shalt  }
.Lfunc_end0:
.L_simem_size_0:
called_computation_lowered:
.L_overlay_start_0:
0x88: {  	s2 =	sld [smem:$0x3FD9]  }
0x89: {  	s3 =	sld [smem:$0x3FFE];
	_ =	sdelay $0x1  }
0x8a: {  	s1 =	srdreg.scid  }
0x8b: {  	s0 =	sand.u32 $0x1, s1  }
0x8c: {  	s17 =	sshll.u32 s0, $0xA;
	s2 =	sadd.s32 s3, s2  }
0x8d: {  	s2 =	sadd.s32 s2, s17  }
0x8e: {  	[smem:$0x3FC0] =	sst s2  }
0x8f: {  	_ = 	snop  }
0x90: {  	s2 =	sld [smem:$0x3FD0];
	(tm) =	ssettm $0x1  }
0x91: {  	s18 =	sld [smem:$0x3FFB];
	_ =	sdelay $0x3  }
0x92: {  	_ =	strace s18  }
0x93: {  	s3 =	sld [smem:$0x3FFC];
	_ =	sdelay $0x3  }
0x94: {  	_ =	strace s3  }
0x95: {  	s3 =	sld [smem:$0x3FFD];
	_ =	sdelay $0x3  }
0x96: {  	_ =	strace s3  }
0x97: {  	_ =	strace $0x8FFFFFFF  }
0x98: {  	s19 =	sld [smem:$0x3FDB];
	_ =	sdelay $0x1  }
0x99: {  	s4 =	simm.s32 $_scs_section_size  }
0x9a: {  	s5 =	simm.s32 $_size__tile_overlayer_lowered;
	s6 =	simm.s32 $_tile_overlayer_lowered  }
0x9b: {  	s22 =	simm.s32 $0x1BFF;
	s21 =	sshll.u32 s6, $0x1;
	s3 =	sadd.s32 s4, s19  }
0x9c: {  	s7 =	simm.s32 $0x0;
	s20 =	sshll.u32 s5, $0x1;
	s5 =	sadd.s32 s21, s3  }
0x9d: {  	[timem:s7], [sflag:s22] =	dma.local [hbm:s5], s20  }
0x9e: {  	_ =	swait.ge [sflag:s22], s20  }
0x9f: {  	s4 =	ssub.s32 $0x0, s20;
	[sflag:s22] =	ssyncset.done $0x0  }
0xa0: {  	[sflag:s22] =	ssyncadd.s32 s4;
	_ =	sdelay $0x1  }
0xa1: {  	s23 =	simm.s32 $0x1B8B  }
0xa2: {  	_ =	swait.ge [sflag:s23], $0x1  }
0xa3: {  	[sflag:s23] =	ssyncset.done $0x0  }
0xa4: {  	s25 =	simm.s32 $0x1B8E;
	s24 =	sld [smem:$0x3FFE];
	[sflag:s23] =	ssyncadd.s32 $0xFFFFFFFF  }
0xa5: {  	s26 =	simm.s32 $execute0_lowered;
	[smem:$0x3FD2] =	sst s25  }
0xa6: {  	s5 =	sshll.u32 s26, $0x1;
	_ =	strace $0x80000046;
	[dreg:$0x1] =	wrdreg $0xFFFFFFFF  }
0xa7: {  	s28 =	simm.s32 $_size_execute0_lowered;
	s3 =	sadd.s32 s3, s5;
	[dreg:$0x0] =	wrdreg $0x0  }
0xa8: {  	s5 =	sshll.u32 s28, $0x1;
	[dreg:$0x2] =	wrdreg s3  }
0xa9: {  	[dreg:$0x3] =	wrdreg s5  }
0xaa: {  	[dreg:$0x4] =	wrdreg $0xC0  }
0xab: {  	_ =	task [dreg:s7], $0x5FFFF  }
0xac: {  	[dreg:$0x1] =	wrdreg $0xFFFFFFFF  }
0xad: {  	[dreg:$0x0] =	wrdreg $0x60  }
0xae: {  	[dreg:$0x2] =	wrdreg s24  }
0xaf: {  	[dreg:$0x3] =	wrdreg s2  }
0xb0: {  	[dreg:$0x4] =	wrdreg $0x43000  }
0xb1: {  	[dreg:$0x5] =	wrdreg $0x9  }
0xb2: {  	_ =	task.clear_ibuf [dreg:s7], $0x6FFFF;
	_ =	strace $0x90000046  }
0xb3: {  	s29 =	simm.s32 $0x9;
	_ =	strace $0x80000048  }
0xb4: {  	_ =	swait.ge [sflag:s29], $0x1  }
0xb5: {  	[sflag:s29] =	ssyncadd.s32 $0xFFFFFFFF  }
0xb6: {  	_ =	strace $0x90000048  }
0xb7: {  	_ =	sfence  }
0xb8: {  	s30 =	sld [smem:$0x0];
	_ =	sdelay $0x2  }
0xb9: {  	s31 =	sshll.u32 s1, $0xD;
	s1 =	sshrl.u32 s1, $0x2  }
0xba: {  	s3 =	sand.u32 $0x4000, s31;
	s1 =	sadd.s32 s1, s30  }
0xbb: {  	s0 =	sor.u32 s3, s0;
	s1 =	sshll.u32 s1, $0x11  }
0xbc: {  	s0 =	sor.u32 s1, s0  }
0xbd: {  	s0 =	sadd.s32 $0x8F2B, s0  }
0xbe: {  	[sflag:s0] =	ssyncadd.remote.s32 $0x1  }
0xbf: {  	_ =	sfence.sel $0xFFFF  }
0xc0: {  	[dreg:$0x0] =	wrdreg $0xFFFFFFFF;
	(pc) =	sbr.abs _section_cstart, $3  }
0xc1: {  	[dreg:$0x1] =	wrdreg $0xFFFFFFFF  }
0xc2: {  	_ =	task.clear_ibuf [dreg:s7], $0x2FFFF;
	_ =	strace $0x9FFFFFFF  }
0xc3: {  	(tm) =	ssettm $0x7FFFFFFF  }
tec
execute0_lowered:
.L_overlay_start_1:
0x0: {  	(tag) =	ssettag $0x1  }
0x1: {  	s4 =	rddreg [dreg:$0x0]  }
0x2: {  	s6 =	rddreg [dreg:$0x1]  }
0x3: {  	s2 =	rddreg [dreg:$0x2]  }
0x4: {  	s0 =	rddreg [dreg:$0x3]  }
0x5: {  	s1 =	stileid.u32;
	s5 =	srdreg.scid  }
0x6: {  	s3 =	simm.s32 $0x0;
	s11 =	simm.s32 $0x4000;
	s14 =	simm.s32 $0x0  }
0x7: {  	s5 =	sand.u32 $0x1, s5;
	s7 =	smul.u32 $0x280, s1;
	[smem:$0x7FF] =	sst s3  }
0x8: {  	s8 =	sshll.u32 s1, $0xB;
	s12 =	sshll.u32 s1, $0x6;
	s9 =	smul.u32 $0x2800, s5  }
0x9: {  	_ =	strace $0x80000047;
	s4 =	sadd.s32 s8, s4;
	s31 =	ssub.s32 $0x2, s5  }
0xa: {  	s5 =	sshll.u32 s5, $0xF;
	s12 =	sor.u32 $0x1C01, s12;
	s10 =	sshrl.u32 s31, $0x1  }
0xb: {  	s5 =	sadd.s32 s5, s4;
	s4 =	sadd.s32 s7, s2;
	s9 =	sadd.s32 s7, s9  }
0xc: {  	s8 =	ssub.s32 s31, s10;
	s5 =	sadd.s32 $0x16A00, s5;
	s10 =	simm.s32 $0x50  }
0xd: {  	s13 =	sshrl.u32 s4, $0x3;
	s9 =	sshrl.u32 s9, $0x3;
	s7 =	smax.u32 s8, $0x1  }
0xe: {  	v0 =	vimm.f32 $1.000000000e+00;
	v1 =	vimm.f32 $0.0e+00;
	s8 =	simm.s32 $0x4080;
	s6 =	sadd.s32 s6, s9;
	s9 =	simm.s32 $0x1  }
.LBB2_1:
0xf: {  	[tilespmem:$0x4000] =	vst v0  }
0x10: {  	[tilespmem:$0x4010] =	vst v0  }
0x11: {  	[tilespmem:$0x4020] =	vst v0  }
0x12: {  	[tilespmem:$0x4030] =	vst v0  }
0x13: {  	[tilespmem:$0x4040] =	vst v0  }
0x14: {  	[tilespmem:$0x4080] =	vst v1  }
0x15: {  	[tilespmem:$0x4090] =	vst v1  }
0x16: {  	[tilespmem:$0x40A0] =	vst v1  }
0x17: {  	[tilespmem:$0x40B0] =	vst v1  }
0x18: {  	[tilespmem:$0x40C0] =	vst v1  }
0x19: {  	[tilespmem:$0x40D0] =	vst v1  }
0x1a: {  	[tilespmem:$0x40E0] =	vst v1  }
0x1b: {  	[tilespmem:$0x40F0] =	vst v1  }
0x1c: {  	[tilespmem:$0x4100] =	vst v1  }
0x1d: {  	[tilespmem:$0x4110] =	vst v1  }
0x1e: {  	[tilespmem:$0x4120] =	vst v1  }
0x1f: {  	[tilespmem:$0x4130] =	vst v1  }
0x20: {  	[tilespmem:$0x4140] =	vst v1  }
0x21: {  	[tilespmem:$0x4150] =	vst v1  }
0x22: {  	[tilespmem:$0x4160] =	vst v1  }
0x23: {  	[tilespmem:$0x4170] =	vst v1  }
0x24: {  	[tilespmem:$0x4180] =	vst v1  }
0x25: {  	[tilespmem:$0x4190] =	vst v1  }
0x26: {  	[tilespmem:$0x41A0] =	vst v1  }
0x27: {  	[tilespmem:$0x41B0] =	vst v1  }
0x28: {  	[tilespmem:$0x41C0] =	vst v1  }
0x29: {  	[tilespmem:$0x41D0] =	vst v1  }
0x2a: {  	[tilespmem:$0x41E0] =	vst v1  }
0x2b: {  	[tilespmem:$0x41F0] =	vst v1  }
0x2c: {  	[tilespmem:$0x4200] =	vst v1  }
0x2d: {  	[tilespmem:$0x4210] =	vst v1  }
0x2e: {  	[tilespmem:$0x4220] =	vst v1  }
0x2f: {  	[tilespmem:$0x4230] =	vst v1  }
0x30: {  	[tilespmem:$0x4240] =	vst v1  }
0x31: {  	[tilespmem:$0x4250] =	vst v1  }
0x32: {  	[tilespmem:$0x4260] =	vst v1  }
0x33: {  	[tilespmem:$0x4270] =	vst v1  }
0x34: {  	[tilespmem:$0x4280] =	vst v1  }
0x35: {  	[tilespmem:$0x4290] =	vst v1  }
0x36: {  	[tilespmem:$0x42A0] =	vst v1  }
0x37: {  	[tilespmem:$0x42B0] =	vst v1  }
0x38: {  	[tilespmem:$0x42C0] =	vst v1  }
0x39: {  	[tilespmem:$0x42D0] =	vst v1  }
0x3a: {  	[tilespmem:$0x42E0] =	vst v1  }
0x3b: {  	[tilespmem:$0x42F0] =	vst v1  }
0x3c: {  	[spmem:s4] =	stream.linear.scatter [tilespmem:s8], [sflag:$0x1], $0x280, $0x38;
	[tilespmem:$0x4580] =	vst v63  }
0x3d: {  	_ =	swait.ge [sflag:s9], $0x280  }
0x3e: {  	[sflag:s9] =	ssyncset.done $0x0  }
0x3f: {  	[sflag:s9] =	ssyncadd.s32 $0xFFFFFD80  }
0x40: {  	[tilespmem:s3], [sflag:$0x1] =	stream.linear.gather [hbm4b:s5+s3], $0x3E80, $0x38;
	[tilespmem:$0x4580] =	vst v63  }
0x41: {  	_ =	swait.ge [sflag:s9], $0x3E80  }
0x42: {  	[sflag:s9] =	ssyncset.done $0x0  }
0x43: {  	[sflag:s9] =	ssyncadd.s32 $0xFFFFC180  }
0x44: {  	s15 =	simm.s32 $0x0;
	[bflag:$0x0] =	sbarrier.arrive $0xFFFF  }
0x45: {  	[spmem:s2] =	stream.indirect.scatter.add.f32 [tilespmem:s11], [sflag:$0x1], $0x1, s15, s10, $0xb8;
	[tilespmem:$0x4580] =	vst v63  }
0x46: {  	_ =	swait.ge [sflag:s9], $0x50  }
0x47: {  	s15 =	simm.s32 $0x200;
	[sflag:s9] =	ssyncset.done $0x0  }
.LBB2_2:
0x48: {  	s16 =	sshra.s32 s15, $0x2;
	[sflag:s9] =	ssyncadd.s32 $0xFFFFFFB0;
	p0 =	sne.s32 s15, $0xF800  }
0x49: {  	[spmem:s2] =	stream.indirect.scatter.add.f32 [tilespmem:s11], [sflag:$0x1], $0x1, s16, s10, $0xb8;
	[tilespmem:$0x4580] =	vst v63  }
.Ltmp0:
0x4a: {  	_ = 	snop;
	(pc) =	sbr.rel @p0 .LBB2_2-.Ltmp0, $4  }
0x4b: {  	_ = 	snop  }
0x4c: {  	s15 =	sadd.s32 $0x200, s15  }
0x4d: {  	_ =	swait.ge [sflag:s9], $0x50  }
0x4e: {  	[sflag:s9] =	ssyncset.done $0x0  }
0x4f: {  	s14 =	sadd.s32 $0x1, s14  }
0x50: {  	[sflag:s9] =	ssyncadd.s32 $0xFFFFFFB0;
	p0 =	sne.s32 s14, s7  }
.Ltmp1:
0x51: {  	[bflag:$0x0] =	sbarrier.arrive $0xFFFF;
	(pc) =	sbr.rel @p0 .LBB2_1-.Ltmp1, $4  }
0x52: {  	[hbm:s6], [sflag:s12] =	dma.local [spmem:s13], $0x50  }
0x53: {  	_ =	swait.ge [sflag:s9], $0x50  }
0x54: {  	[sflag:s9] =	ssyncset.done $0x0  }
0x55: {  	[sflag:s9] =	ssyncadd.s32 $0xFFFFFFB0  }
0x56: {  	_ =	sfence.sel $0x180000  }
0x57: {  	[bflag:$0x0] =	sbarrier.arrive $0xFFFF  }
0x58: {  	p0 =	sne.s32 s1, $0x0;
	_ =	strace $0x90000047  }
0x59: {  	s0 =	sadd.s32 @!p0 $0x100000, s0;
	[bflag:$0x2] =	sbarrier.arrive $0xFFFF  }
0x5a: {  	[sflag:s0] =	ssyncadd.tile.s32 @!p0 $0x1;
	_ =	shalt  }
.Lfunc_end2:
_tile_overlayer_lowered:
.L_overlay_start_2:
0x5b: {  	(tag) =	ssettag $0x2  }
0x5c: {  	s0 =	rddreg [dreg:$0x0];
	s2 =	stileid.u32  }
0x5d: {  	s1 =	rddreg [dreg:$0x1];
	p0 =	sne.s32 s2, $0x0  }
0x5e: {  	s3 =	rddreg [dreg:$0x2];
	[bflag:$0x3] =	sbarrier.arrive $0xFFFF;
	s2 =	simm.s32 @!p0 $0x1C01  }
0x5f: {  	[timem:s3], [sflag:s2] =	dma.local @!p0 [hbm:s0], s1  }
0x60: {  	s0 =	simm.s32 @!p0 $0x1  }
0x61: {  	_ =	swait.ge @!p0 [sflag:s0], s1  }
0x62: {  	s1 =	ssub.s32 @!p0 $0x0, s1;
	[sflag:s0] =	ssyncset.done @!p0 $0x0  }
0x63: {  	[sflag:s0] =	ssyncadd.s32 @!p0 s1  }
0x64: {  	[bflag:$0x3] =	sbarrier.arrive $0xFFFF  }
0x65: {  	_ =	shalt  }

// kernel: kernel.13.cloned.1.call-start
scs
__scs_entry_jumppad:
0x0: {  	(pc) =	sbr.rel $0x88, $3  }
0x1: {  	(tag) =	ssettag $0x0;
	lr =	simm.s32 $0x1  }
0x2: {  	[smem:$0x3F99] =	sst lr;
	_ =	strace $0xD0000000  }
0x3: {  	_ = 	snop  }
0x4: {  	_ = 	snop  }
0x5: {  	_ = 	snop  }
0x6: {  	_ = 	snop  }
0x7: {  	_ = 	snop  }
__scs_overlays_trampoline_lowered:
0x8: {  	[smem:$0x3FA8] =	sst s0  }
0x9: {  	[smem:$0x3FA9] =	sst s1  }
0xa: {  	[smem:$0x3FAA] =	sst s2  }
0xb: {  	[smem:$0x3FAB] =	sst s3  }
0xc: {  	[smem:$0x3FAC] =	sst s4  }
0xd: {  	[smem:$0x3FAD] =	sst s5  }
0xe: {  	[smem:$0x3FAE] =	sst s6  }
0xf: {  	[smem:$0x3FAF] =	sst s7  }
0x10: {  	[smem:$0x3FB0] =	sst s8  }
0x11: {  	[smem:$0x3FB1] =	sst s9;
	s0 =	simm.s32 @!p0 $0x0  }
0x12: {  	s1 =	sld [smem:$0x3F97];
	s0 =	simm.s32 @p0 $0x1  }
0x13: {  	[smem:$0x3FB2] =	sst s0;
	s0 =	simm.s32 @!p1 $0x0  }
0x14: {  	s2 =	sld [smem:$0x3F96];
	s0 =	simm.s32 @p1 $0x1  }
0x15: {  	[smem:$0x3FB3] =	sst s0;
	s0 =	simm.s32 @!p2 $0x0  }
0x16: {  	s3 =	sld [smem:$0x3FDB];
	s0 =	simm.s32 @p2 $0x1  }
0x17: {  	s4 =	simm.s32 $0x1BF5;
	[smem:$0x3FB5] =	sst s0  }
0x18: {  	s0 =	sld [smem:$0x3F98];
	_ =	swait.ge [sflag:s4], $0x0  }
0x19: {  	s7 =	sld [smem:$0x3F99]  }
0x1a: {  	s8 =	sadd.s32 $0xFFFFE003, lr  }
0x1b: {  	s9 =	sadd.s32 $0xFFFFFEF7, lr;
	s5 =	simm.s32 $0xFFFFFFFF;
	p2 =	slt.u32 s8, $0xFFFFF086  }
0x1c: {  	p1 =	slt.u32 s9, $0xF7A;
	s5 =	simm.s32 @!p2 $0x0  }
0x1d: {  	s5 =	simm.s32 @p1 $0x1;
	p0 =	seq.s32 s7, s2  }
0x1e: {  	s7 =	smul.u32 @!p0 $0xF7A, s2;
	p2 =	seq.s32 @!p0 s5, $0x0  }
0x1f: {  	s9 =	smul.u32 $0xF7A, s1;
	s8 =	simm.s32 @!p0 $0x1BF5;
	p2 =	por !p2, p0  }
0x20: {  	[sflag:s8] =	ssyncset.s32 @!p0 $0xFFFFF086;
	s6 =	sadd.s32 @!p0 s3, s7;
	s7 =	simm.s32 @!p0 $0x108  }
0x21: {  	s3 =	sadd.s32 s3, s9;
	s6 =	sadd.s32 @!p0 $0x88, s6;
	s7 =	simm.s32 @p2 $0x1082  }
0x22: {  	[simem:s7], [sflag:s8] =	dma.local @!p0 [hbm:s6], $0xF7A  }
0x23: {  	s9 =	sor.u32 $0xD0000000, s2;
	s6 =	simm.s32 $0x108;
	_ =	swait.ge @!p0 [sflag:s8], $0x0  }
0x24: {  	s3 =	sadd.s32 $0x88, s3;
	s6 =	simm.s32 @!p1 $0x1082;
	[sflag:s4] =	ssyncset.s32 $0xFFFFF086  }
0x25: {  	[simem:s6], [sflag:s4] =	dma.local [hbm:s3], $0xF7A  }
0x26: {  	[smem:$0x3F99] =	sst s1;
	(tag) =	ssettag s2;
	_ =	strace s9  }
0x27: {  	s1 =	sld [smem:$0x3FA9]  }
0x28: {  	s2 =	sld [smem:$0x3FAA]  }
0x29: {  	s4 =	sld [smem:$0x3FAC]  }
0x2a: {  	p0 =	seq.s32 s5, $0x0;
	s5 =	sld [smem:$0x3FAD]  }
0x2b: {  	s6 =	sld [smem:$0x3FAE]  }
0x2c: {  	s7 =	sld [smem:$0x3FAF]  }
0x2d: {  	s3 =	simm.s32 $0x108;
	s8 =	sld [smem:$0x3FB0]  }
0x2e: {  	s3 =	simm.s32 @!p0 $0x1082;
	s9 =	sld [smem:$0x3FB1]  }
0x2f: {  	lr =	sadd.s32 s0, s3;
	s0 =	sld [smem:$0x3FA8]  }
0x30: {  	s3 =	sld [smem:$0x3FAB]  }
0x31: {  	[smem:$0x3FB4] =	sst s10  }
0x32: {  	s10 =	sld [smem:$0x3FB2];
	_ =	sdelay $0x3  }
0x33: {  	p0 =	seq.s32 s10, $0x1;
	s10 =	sld [smem:$0x3FB4];
	_ =	sdelay $0x3  }
0x34: {  	[smem:$0x3FB4] =	sst s10  }
0x35: {  	s10 =	sld [smem:$0x3FB3];
	_ =	sdelay $0x3  }
0x36: {  	p1 =	seq.s32 s10, $0x1;
	s10 =	sld [smem:$0x3FB4];
	_ =	sdelay $0x3  }
0x37: {  	[smem:$0x3FB4] =	sst s10  }
0x38: {  	s10 =	sld [smem:$0x3FB5]  }
0x39: {  	_ = 	snop;
	(pc) =	sbr.ind lr, $3  }
0x3a: {  	_ = 	snop  }
0x3b: {  	_ = 	snop  }
0x3c: {  	p2 =	seq.s32 s10, $0x1;
	s10 =	sld [smem:$0x3FB4]  }
0x3d: {  	_ =	shalt  }
0x3e: {  	_ =	shalt  }
0x3f: {  	_ =	shalt  }
0x40: {  	_ =	shalt  }
0x41: {  	_ =	shalt  }
0x42: {  	_ =	shalt  }
0x43: {  	_ =	shalt  }
0x44: {  	_ =	shalt  }
0x45: {  	_ =	shalt  }
0x46: {  	_ =	shalt  }
0x47: {  	_ =	shalt  }
0x48: {  	_ =	shalt  }
0x49: {  	_ =	shalt  }
0x4a: {  	_ =	shalt  }
0x4b: {  	_ =	shalt  }
0x4c: {  	_ =	shalt  }
0x4d: {  	_ =	shalt  }
0x4e: {  	_ =	shalt  }
0x4f: {  	_ =	shalt  }
0x50: {  	_ =	shalt  }
0x51: {  	_ =	shalt  }
0x52: {  	_ =	shalt  }
0x53: {  	_ =	shalt  }
0x54: {  	_ =	shalt  }
0x55: {  	_ =	shalt  }
0x56: {  	_ =	shalt  }
0x57: {  	_ =	shalt  }
0x58: {  	_ =	shalt  }
0x59: {  	_ =	shalt  }
0x5a: {  	_ =	shalt  }
0x5b: {  	_ =	shalt  }
0x5c: {  	_ =	shalt  }
0x5d: {  	_ =	shalt  }
0x5e: {  	_ =	shalt  }
0x5f: {  	_ =	shalt  }
0x60: {  	_ =	shalt  }
0x61: {  	_ =	shalt  }
0x62: {  	_ =	shalt  }
0x63: {  	_ =	shalt  }
0x64: {  	_ =	shalt  }
0x65: {  	_ =	shalt  }
0x66: {  	_ =	shalt  }
0x67: {  	_ =	shalt  }
0x68: {  	_ =	shalt  }
0x69: {  	_ =	shalt  }
0x6a: {  	_ =	shalt  }
0x6b: {  	_ =	shalt  }
0x6c: {  	_ =	shalt  }
0x6d: {  	_ =	shalt  }
0x6e: {  	_ =	shalt  }
0x6f: {  	_ =	shalt  }
0x70: {  	_ =	shalt  }
0x71: {  	_ =	shalt  }
0x72: {  	_ =	shalt  }
0x73: {  	_ =	shalt  }
0x74: {  	_ =	shalt  }
0x75: {  	_ =	shalt  }
0x76: {  	_ =	shalt  }
0x77: {  	_ =	shalt  }
0x78: {  	_ =	shalt  }
0x79: {  	_ =	shalt  }
0x7a: {  	_ =	shalt  }
0x7b: {  	_ =	shalt  }
0x7c: {  	_ =	shalt  }
0x7d: {  	_ =	shalt  }
0x7e: {  	_ =	shalt  }
0x7f: {  	_ =	shalt  }
0x80: {  	_ =	shalt  }
0x81: {  	_ =	shalt  }
0x82: {  	_ =	shalt  }
0x83: {  	_ =	shalt  }
0x84: {  	_ =	shalt  }
0x85: {  	_ =	shalt  }
0x86: {  	_ =	shalt  }
0x87: {  	_ =	shalt  }
.Lfunc_end0:
.L_simem_size_0:
called_computation.1_lowered:
.L_overlay_start_0:
0x88: {  	s2 =	sld [smem:$0x3FD9]  }
0x89: {  	s3 =	sld [smem:$0x3FFE];
	_ =	sdelay $0x1  }
0x8a: {  	s1 =	srdreg.scid  }
0x8b: {  	s0 =	sand.u32 $0x1, s1  }
0x8c: {  	s16 =	sshll.u32 s0, $0xA;
	s2 =	sadd.s32 s3, s2  }
0x8d: {  	s2 =	sadd.s32 s2, s16  }
0x8e: {  	[smem:$0x3FC0] =	sst s2  }
0x8f: {  	_ = 	snop  }
0x90: {  	(tm) =	ssettm $0x1  }
0x91: {  	s17 =	sld [smem:$0x3FFB];
	_ =	sdelay $0x3  }
0x92: {  	_ =	strace s17  }
0x93: {  	s2 =	sld [smem:$0x3FFC];
	_ =	sdelay $0x3  }
0x94: {  	_ =	strace s2  }
0x95: {  	s2 =	sld [smem:$0x3FFD];
	_ =	sdelay $0x3  }
0x96: {  	_ =	strace s2  }
0x97: {  	_ =	strace $0x8FFFFFFF  }
0x98: {  	s18 =	sld [smem:$0x3FDB];
	_ =	sdelay $0x1  }
0x99: {  	s19 =	simm.s32 $_scs_section_size  }
0x9a: {  	s4 =	simm.s32 $_size__tile_overlayer_lowered;
	s5 =	simm.s32 $_tile_overlayer_lowered  }
0x9b: {  	s22 =	simm.s32 $0x1BFF;
	s21 =	sshll.u32 s5, $0x1;
	s2 =	sadd.s32 s19, s18  }
0x9c: {  	s6 =	simm.s32 $0x0;
	s20 =	sshll.u32 s4, $0x1;
	s4 =	sadd.s32 s21, s2  }
0x9d: {  	[timem:s6], [sflag:s22] =	dma.local [hbm:s4], s20  }
0x9e: {  	_ =	swait.ge [sflag:s22], s20  }
0x9f: {  	s3 =	ssub.s32 $0x0, s20;
	[sflag:s22] =	ssyncset.done $0x0  }
0xa0: {  	[sflag:s22] =	ssyncadd.s32 s3;
	_ =	sdelay $0x1  }
0xa1: {  	s23 =	simm.s32 $0x1B8B  }
0xa2: {  	_ =	swait.ge [sflag:s23], $0x1  }
0xa3: {  	[sflag:s23] =	ssyncset.done $0x0  }
0xa4: {  	s25 =	simm.s32 $0x1B8E;
	s24 =	sld [smem:$0x3FFE];
	[sflag:s23] =	ssyncadd.s32 $0xFFFFFFFF  }
0xa5: {  	s26 =	simm.s32 $execute0_lowered;
	[smem:$0x3FD2] =	sst s25  }
0xa6: {  	s4 =	sshll.u32 s26, $0x1;
	_ =	strace $0x80000049;
	[dreg:$0x1] =	wrdreg $0xFFFFFFFF  }
0xa7: {  	s28 =	simm.s32 $_size_execute0_lowered;
	s2 =	sadd.s32 s2, s4;
	[dreg:$0x0] =	wrdreg $0x0  }
0xa8: {  	s4 =	sshll.u32 s28, $0x1;
	[dreg:$0x2] =	wrdreg s2  }
0xa9: {  	[dreg:$0x3] =	wrdreg s4  }
0xaa: {  	[dreg:$0x4] =	wrdreg $0xC0  }
0xab: {  	_ =	task [dreg:s6], $0x5FFFF  }
0xac: {  	[dreg:$0x1] =	wrdreg $0xFFFFFFFF  }
0xad: {  	[dreg:$0x0] =	wrdreg $0x60  }
0xae: {  	[dreg:$0x2] =	wrdreg s24  }
0xaf: {  	[dreg:$0x3] =	wrdreg $0xEC400  }
0xb0: {  	[dreg:$0x4] =	wrdreg $0x9  }
0xb1: {  	_ =	task.clear_ibuf [dreg:s6], $0x5FFFF;
	_ =	strace $0x90000049  }
0xb2: {  	s29 =	simm.s32 $0x9;
	_ =	strace $0x8000004B  }
0xb3: {  	_ =	swait.ge [sflag:s29], $0x1  }
0xb4: {  	[sflag:s29] =	ssyncadd.s32 $0xFFFFFFFF  }
0xb5: {  	_ =	strace $0x9000004B  }
0xb6: {  	_ =	sfence  }
0xb7: {  	s30 =	sld [smem:$0x0];
	_ =	sdelay $0x2  }
0xb8: {  	s31 =	sshll.u32 s1, $0xD;
	s1 =	sshrl.u32 s1, $0x2  }
0xb9: {  	s3 =	sand.u32 $0x4000, s31;
	s1 =	sadd.s32 s1, s30  }
0xba: {  	s0 =	sor.u32 s3, s0;
	s1 =	sshll.u32 s1, $0x11  }
0xbb: {  	s0 =	sor.u32 s1, s0  }
0xbc: {  	s0 =	sadd.s32 $0x8F2B, s0  }
0xbd: {  	[sflag:s0] =	ssyncadd.remote.s32 $0x1  }
0xbe: {  	_ =	sfence.sel $0xFFFF  }
0xbf: {  	[dreg:$0x0] =	wrdreg $0xFFFFFFFF;
	(pc) =	sbr.abs _section_cstart, $3  }
0xc0: {  	[dreg:$0x1] =	wrdreg $0xFFFFFFFF  }
0xc1: {  	_ =	task.clear_ibuf [dreg:s6], $0x2FFFF;
	_ =	strace $0x9FFFFFFF  }
0xc2: {  	(tm) =	ssettm $0x7FFFFFFF  }
0xc3: {  	_ =	shalt  }
tec
execute0_lowered:
.L_overlay_start_1:
0x0: {  	(tag) =	ssettag $0x1  }
0x1: {  	s0 =	rddreg [dreg:$0x0]  }
0x2: {  	s2 =	rddreg [dreg:$0x1];
	s11 =	stileid.u32  }
0x3: {  	s1 =	simm.s32 $0x0;
	s21 =	srdreg.scid;
	s3 =	smul.u32 $0x9C4, s11  }
0x4: {  	s20 =	simm.s32 $0x4E20;
	s31 =	simm.s32 $0x3;
	s6 =	smul.u32 $0x32000, s11  }
0x5: {  	[smem:$0x7FF] =	sst s1;
	s1 =	sand.u32 $0x1, s21;
	s9 =	smul.u32 $0x320, s11  }
0x6: {  	s4 =	sadd.s32 $0x16A00, s0;
	s11 =	smul.u32 $0x19000, s11;
	s21 =	simm.s32 $0x50  }
0x7: {  	_ =	strace $0x8000004A;
	s5 =	ssub.s32 $0x2, s1;
	s18 =	sshll.u32 s1, $0x6  }
0x8: {  	v0 =	vmov s1;
	s1 =	simm.s32 $0x8;
	s3 =	sadd.s32 s3, s0;
	s7 =	sshrl.u32 s5, $0x1  }
0x9: {  	s0 =	sadd.s32 $0x3DC00, s0;
	s22 =	sshrl.u32 s6, $0x2;
	s10 =	sadd.s32 $0xA0, s9  }
0xa: {  	s14 =	sadd.s32 $0x140, s9;
	s15 =	sadd.s32 $0x1E0, s9;
	s16 =	sadd.s32 $0x280, s9  }
0xb: {  	s11 =	sor.u32 s18, s11;
	s17 =	ssub.s32 s5, s7;
	s5 =	sadd.s32 s22, s2  }
0xc: {  	s23 =	sshll.u32 s10, $0x6;
	s24 =	sshll.u32 s14, $0x6;
	s8 =	sshll.u32 s15, $0x6  }
0xd: {  	s9 =	sshll.u32 s16, $0x6;
	s10 =	sshll.u32 s10, $0x7;
	s25 =	sadd.s32 $0x2E00, s3  }
0xe: {  	s13 =	sshrl.u32 s11, $0x3;
	s11 =	sadd.s32 $0xCC00, s3;
	s26 =	sshll.u32 s14, $0x7  }
0xf: {  	s28 =	sshll.u32 s15, $0x7;
	s29 =	sshll.u32 s16, $0x7;
	s22 =	simm.s32 $0x9C40  }
0x10: {  	s6 =	sadd.s32 s23, s2;
	s7 =	sadd.s32 s24, s2;
	s8 =	sadd.s32 s8, s2  }
0x11: {  	s9 =	sadd.s32 s9, s2;
	s12 =	sor.u32 s18, s10;
	[dreg:$0x3] =	wrdreg s25  }
0x12: {  	s3 =	sor.u32 s18, s26;
	s14 =	sor.u32 s18, s28;
	s15 =	sor.u32 s18, s29  }
0x13: {  	s17 =	smax.u32 s17, $0x1;
	s23 =	simm.s32 $0xB040;
	s24 =	simm.s32 $0x1  }
0x14: {  	s26 =	simm.s32 $0x2;
	s25 =	simm.s32 $0x0;
	s19 =	sshrl.u32 s12, $0x3  }
0x15: {  	s12 =	sadd.s32 s0, s13;
	s3 =	sshrl.u32 s3, $0x3;
	s30 =	sshrl.u32 s14, $0x3  }
0x16: {  	s18 =	sshrl.u32 s15, $0x3;
	s13 =	sadd.s32 s0, s19;
	s14 =	sadd.s32 s0, s3  }
0x17: {  	s15 =	sadd.s32 s0, s30;
	s16 =	sadd.s32 s0, s18;
	s18 =	simm.s32 $0xC440  }
0x18: {  	v1 =	vimm.f32 $0.0e+00;
	s19 =	simm.s32 $0x5;
	s0 =	simm.s32 $0x4;
	s3 =	simm.s32 $0x10  }
.LBB2_1:
0x19: {  	s29 =	simm.s32 $0x100;
	s28 =	simm.s32 $0x0  }
.LBB2_2:
0x1a: {  	p0 =	sne.s32 s29, $0x9F00;
	[tilespmem:s28+$0xC470] =	vst v1;
	s30 =	smov.u32 s29;
	s29 =	sadd.s32 $0x100, s29  }
.Ltmp0:
0x1b: {  	[tilespmem:s28+$0xC460] =	vst v1;
	(pc) =	sbr.rel @p0 .LBB2_2-.Ltmp0, $3  }
0x1c: {  	[tilespmem:s28+$0xC440] =	vst v1  }
0x1d: {  	[tilespmem:s28+$0xC450] =	vst v1;
	_ =	sdelay $0x1  }
0x1e: {  	s28 =	sshra.s32 s30, $0x2  }
0x1f: {  	[tilespmem:s28+$0xC470] =	vst v1  }
0x20: {  	[tilespmem:s28+$0xC460] =	vst v1  }
0x21: {  	[tilespmem:s28+$0xC440] =	vst v1  }
0x22: {  	[tilespmem:s28+$0xC450] =	vst v1  }
0x23: {  	[spmem:s5] =	stream.linear.scatter [tilespmem:s18], [sflag:$0x5], $0x2800, $0x38;
	[tilespmem:$0x1B440] =	vst v63  }
0x24: {  	_ =	swait.ge [sflag:s19], $0x2800  }
0x25: {  	[sflag:s19] =	ssyncset.done $0x0  }
0x26: {  	[sflag:s19] =	ssyncadd.s32 $0xFFFFD800  }
0x27: {  	[spmem:s6] =	stream.linear.scatter [tilespmem:s18], [sflag:$0x5], $0x2800, $0x38;
	[tilespmem:$0x1B440] =	vst v63  }
0x28: {  	_ =	swait.ge [sflag:s19], $0x2800  }
0x29: {  	[sflag:s19] =	ssyncset.done $0x0  }
0x2a: {  	[sflag:s19] =	ssyncadd.s32 $0xFFFFD800  }
0x2b: {  	[spmem:s7] =	stream.linear.scatter [tilespmem:s18], [sflag:$0x5], $0x2800, $0x38;
	[tilespmem:$0x1B440] =	vst v63  }
0x2c: {  	_ =	swait.ge [sflag:s19], $0x2800  }
0x2d: {  	[sflag:s19] =	ssyncset.done $0x0  }
0x2e: {  	[sflag:s19] =	ssyncadd.s32 $0xFFFFD800  }
0x2f: {  	[spmem:s8] =	stream.linear.scatter [tilespmem:s18], [sflag:$0x5], $0x2800, $0x38;
	[tilespmem:$0x1B440] =	vst v63  }
0x30: {  	_ =	swait.ge [sflag:s19], $0x2800  }
0x31: {  	[sflag:s19] =	ssyncset.done $0x0  }
0x32: {  	[sflag:s19] =	ssyncadd.s32 $0xFFFFD800  }
0x33: {  	[spmem:s9] =	stream.linear.scatter [tilespmem:s18], [sflag:$0x5], $0x2800, $0x38;
	[tilespmem:$0x1B440] =	vst v63  }
0x34: {  	_ =	swait.ge [sflag:s19], $0x2800  }
0x35: {  	[sflag:s19] =	ssyncset.done $0x0  }
0x36: {  	s28 =	simm.s32 $0x0;
	s10 =	rddreg [dreg:$0x3];
	[sflag:s19] =	ssyncadd.s32 $0xFFFFD800  }
0x37: {  	[tilespmem:s28], [sflag:$0x5] =	stream.linear.gather [hbm4b:s10+s28], $0x4E20, $0x38;
	[tilespmem:$0x1B440] =	vst v63  }
0x38: {  	_ =	swait.ge [sflag:s19], $0x4E20  }
0x39: {  	[sflag:s19] =	ssyncset.done $0x0  }
0x3a: {  	[sflag:s19] =	ssyncadd.s32 $0xFFFFB1E0  }
0x3b: {  	[tilespmem:s20], [sflag:$0x5] =	stream.linear.gather [hbm4b:s11+s28], $0x4E20, $0x38;
	[tilespmem:$0x1B440] =	vst v63  }
0x3c: {  	_ =	swait.ge [sflag:s19], $0x4E20  }
0x3d: {  	[sflag:s19] =	ssyncset.done $0x0  }
0x3e: {  	s28 =	simm.s32 $0x0;
	[sflag:s19] =	ssyncadd.s32 $0xFFFFB1E0  }
0x3f: {  	v4 =	vld [tilespmem:s28+$0x0]  }
0x40: {  	v5 =	vld [tilespmem:s28+$0x10]  }
0x41: {  	v3 =	vld [tilespmem:s28+$0x20]  }
0x42: {  	s29 =	simm.s32 $0x140;
	v2 =	vld [tilespmem:s28+$0x30]  }
.LBB2_4:
0x43: {  	p0 =	sne.s32 s29, $0x13740;
	v6 =	vld [tilespmem:s28+$0x40]  }
0x44: {  	v4 =	vshll.u32 v4, $0x1  }
0x45: {  	v4 =	vor.u32 v0, v4;
	v5 =	vshll.u32 v5, $0x1  }
.Ltmp1:
0x46: {  	s30 =	sshra.s32 s29, $0x2;
	[tilespmem:s28+$0x0] =	vst v4;
	v5 =	vor.u32 v0, v5;
	v3 =	vshll.u32 v3, $0x1;
	(pc) =	sbr.rel @p0 .LBB2_4-.Ltmp1, $4  }
0x47: {  	v4 =	vld [tilespmem:s30+$0x0];
	[tilespmem:s28+$0x10] =	vst v5;
	v3 =	vor.u32 v0, v3;
	v2 =	vshll.u32 v2, $0x1  }
0x48: {  	v5 =	vld [tilespmem:s30+$0x10];
	[tilespmem:s28+$0x20] =	vst v3;
	v2 =	vor.u32 v0, v2;
	v6 =	vshll.u32 v6, $0x1  }
0x49: {  	v3 =	vld [tilespmem:s30+$0x20];
	[tilespmem:s28+$0x30] =	vst v2;
	v6 =	vor.u32 v0, v6  }
0x4a: {  	s29 =	sadd.s32 $0x140, s29;
	v2 =	vld [tilespmem:s30+$0x30];
	[tilespmem:s28+$0x40] =	vst v6;
	s28 =	smov.u32 s30  }
0x4b: {  	v6 =	vld [tilespmem:s28+$0x40]  }
0x4c: {  	v4 =	vshll.u32 v4, $0x1  }
0x4d: {  	v4 =	vor.u32 v0, v4;
	v5 =	vshll.u32 v5, $0x1  }
0x4e: {  	[tilespmem:s28+$0x0] =	vst v4;
	v63 =	vor.u32 v0, v5;
	v3 =	vshll.u32 v3, $0x1  }
0x4f: {  	[tilespmem:s28+$0x10] =	vst v63;
	v3 =	vor.u32 v0, v3;
	v2 =	vshll.u32 v2, $0x1  }
0x50: {  	[tilespmem:s28+$0x20] =	vst v3;
	v2 =	vor.u32 v0, v2;
	v3 =	vshll.u32 v6, $0x1  }
0x51: {  	[tilespmem:s28+$0x30] =	vst v2;
	v2 =	vor.u32 v0, v3  }
0x52: {  	[tilespmem:s28+$0x40] =	vst v2  }
0x53: {  	s10 =	simm.s32 $0x0;
	[bflag:$0x0] =	sbarrier.arrive $0xFFFF  }
0x54: {  	[tilespmem:s22], [sflag:$0x1] =	stream.indirect.gather [hbm4b:s4+s21], $0x40, s10, s21, $0xb8;
	[tilespmem:$0x1B440] =	vst v63  }
0x55: {  	_ = 	snop  }
0x56: {  	[tilespmem:s23], [sflag:$0x2] =	stream.indirect.gather [hbm4b:s4+s21], $0x40, s21, s21, $0xb8;
	[tilespmem:$0x1B440] =	vst v63  }
0x57: {  	_ =	swait.ge [sflag:s24], $0x1400  }
0x58: {  	[sflag:s24] =	ssyncset.done $0x0  }
0x59: {  	[sflag:s24] =	ssyncadd.s32 $0xFFFFEC00  }
0x5a: {  	[spmem:s2] =	stream.indirect.scatter.add.f32 [tilespmem:s22], [sflag:$0x3], $0x40, s20, s21, $0xb8;
	[tilespmem:$0x1B440] =	vst v63  }
0x5b: {  	s30 =	simm.s32 $0xA0  }
0x5c: {  	[tilespmem:s22], [sflag:$0x1] =	stream.indirect.gather [hbm4b:s4+s21], $0x40, s30, s21, $0xb8;
	[tilespmem:$0x1B440] =	vst v63  }
0x5d: {  	_ =	swait.ge [sflag:s26], $0x1400  }
0x5e: {  	[sflag:s26] =	ssyncset.done $0x0  }
0x5f: {  	s30 =	simm.s32 $0x4E70;
	[sflag:s26] =	ssyncadd.s32 $0xFFFFEC00  }
0x60: {  	[spmem:s2] =	stream.indirect.scatter.add.f32 [tilespmem:s23], [sflag:$0x4], $0x40, s30, s21, $0xb8;
	[tilespmem:$0x1B440] =	vst v63  }
0x61: {  	s30 =	simm.s32 $0xF0  }
0x62: {  	[tilespmem:s23], [sflag:$0x2] =	stream.indirect.gather [hbm4b:s4+s21], $0x40, s30, s21, $0xb8;
	[tilespmem:$0x1B440] =	vst v63  }
0x63: {  	_ =	swait.ge [sflag:s24], $0x1400  }
0x64: {  	[sflag:s24] =	ssyncset.done $0x0  }
0x65: {  	s30 =	simm.s32 $0x4EC0;
	[sflag:s24] =	ssyncadd.s32 $0xFFFFEC00  }
0x66: {  	[spmem:s2] =	stream.indirect.scatter.add.f32 [tilespmem:s22], [sflag:$0x3], $0x40, s30, s21, $0xb8;
	[tilespmem:$0x1B440] =	vst v63  }
0x67: {  	_ =	swait.ge [sflag:s31], $0x1400  }
0x68: {  	[sflag:s31] =	ssyncset.done $0x0  }
0x69: {  	s28 =	simm.s32 $0x140;
	[sflag:s31] =	ssyncadd.s32 $0xFFFFEC00  }
0x6a: {  	[tilespmem:s22], [sflag:$0x1] =	stream.indirect.gather [hbm4b:s4+s21], $0x40, s28, s21, $0xb8;
	[tilespmem:$0x1B440] =	vst v63  }
0x6b: {  	_ =	swait.ge [sflag:s26], $0x1400  }
0x6c: {  	[sflag:s26] =	ssyncset.done $0x0  }
0x6d: {  	s28 =	simm.s32 $0x4F10;
	[sflag:s26] =	ssyncadd.s32 $0xFFFFEC00  }
0x6e: {  	[spmem:s2] =	stream.indirect.scatter.add.f32 [tilespmem:s23], [sflag:$0x4], $0x40, s28, s21, $0xb8;
	[tilespmem:$0x1B440] =	vst v63  }
0x6f: {  	_ =	swait.ge [sflag:s0], $0x1400  }
0x70: {  	[sflag:s0] =	ssyncset.done $0x0  }
0x71: {  	s28 =	simm.s32 $0x190;
	[sflag:s0] =	ssyncadd.s32 $0xFFFFEC00  }
0x72: {  	[tilespmem:s23], [sflag:$0x2] =	stream.indirect.gather [hbm4b:s4+s21], $0x40, s28, s21, $0xb8;
	[tilespmem:$0x1B440] =	vst v63  }
0x73: {  	_ =	swait.ge [sflag:s24], $0x1400  }
0x74: {  	[sflag:s24] =	ssyncset.done $0x0  }
0x75: {  	s28 =	simm.s32 $0x4F60;
	[sflag:s24] =	ssyncadd.s32 $0xFFFFEC00  }
0x76: {  	[spmem:s2] =	stream.indirect.scatter.add.f32 [tilespmem:s22], [sflag:$0x3], $0x40, s28, s21, $0xb8;
	[tilespmem:$0x1B440] =	vst v63  }
0x77: {  	_ =	swait.ge [sflag:s31], $0x1400  }
0x78: {  	s29 =	simm.s32 $0xFFFFB3C0;
	s28 =	simm.s32 $0xFFFED180;
	[sflag:s31] =	ssyncset.done $0x0  }
.LBB2_6:
0x79: {  	s30 =	sadd.s32 $0x4E20, s29  }
0x7a: {  	[sflag:s31] =	ssyncadd.s32 $0xFFFFEC00;
	s10 =	smov.u32 s28;
	s28 =	sadd.s32 $0x280, s28  }
0x7b: {  	[tilespmem:s22], [sflag:$0x1] =	stream.indirect.gather [hbm4b:s4+s21], $0x40, s30, s21, $0xb8;
	[tilespmem:$0x1B440] =	vst v63  }
0x7c: {  	p0 =	sne.s32 s28, $0x0;
	_ =	swait.ge [sflag:s26], $0x1400  }
0x7d: {  	[sflag:s26] =	ssyncset.done $0x0  }
0x7e: {  	s30 =	sadd.s32 $0x9BF0, s29;
	[sflag:s26] =	ssyncadd.s32 $0xFFFFEC00  }
0x7f: {  	[spmem:s2] =	stream.indirect.scatter.add.f32 [tilespmem:s23], [sflag:$0x4], $0x40, s30, s21, $0xb8;
	[tilespmem:$0x1B440] =	vst v63  }
0x80: {  	_ =	swait.ge [sflag:s0], $0x1400  }
0x81: {  	[sflag:s0] =	ssyncset.done $0x0  }
0x82: {  	s30 =	sadd.s32 $0x4E70, s29;
	[sflag:s0] =	ssyncadd.s32 $0xFFFFEC00  }
0x83: {  	[tilespmem:s23], [sflag:$0x2] =	stream.indirect.gather [hbm4b:s4+s21], $0x40, s30, s21, $0xb8;
	[tilespmem:$0x1B440] =	vst v63  }
0x84: {  	_ =	swait.ge [sflag:s24], $0x1400  }
.Ltmp2:
0x85: {  	[sflag:s24] =	ssyncset.done $0x0;
	(pc) =	sbr.rel @p0 .LBB2_6-.Ltmp2, $4  }
0x86: {  	s29 =	sadd.s32 $0x9C40, s29;
	[sflag:s24] =	ssyncadd.s32 $0xFFFFEC00  }
0x87: {  	[spmem:s2] =	stream.indirect.scatter.add.f32 [tilespmem:s22], [sflag:$0x3], $0x40, s29, s21, $0xb8;
	[tilespmem:$0x1B440] =	vst v63  }
0x88: {  	_ =	swait.ge [sflag:s31], $0x1400  }
0x89: {  	s29 =	sshra.s32 s10, $0x2;
	[sflag:s31] =	ssyncset.done $0x0  }
0x8a: {  	s10 =	sadd.s32 $0x4E20, s29;
	[sflag:s31] =	ssyncadd.s32 $0xFFFFEC00  }
0x8b: {  	[tilespmem:s22], [sflag:$0x1] =	stream.indirect.gather [hbm4b:s4+s21], $0x40, s10, s21, $0xb8;
	[tilespmem:$0x1B440] =	vst v63  }
0x8c: {  	_ =	swait.ge [sflag:s26], $0x1400  }
0x8d: {  	[sflag:s26] =	ssyncset.done $0x0  }
0x8e: {  	s30 =	sadd.s32 $0x9BF0, s29;
	[sflag:s26] =	ssyncadd.s32 $0xFFFFEC00  }
0x8f: {  	[spmem:s2] =	stream.indirect.scatter.add.f32 [tilespmem:s23], [sflag:$0x4], $0x40, s30, s21, $0xb8;
	[tilespmem:$0x1B440] =	vst v63  }
0x90: {  	_ =	swait.ge [sflag:s0], $0x1400  }
0x91: {  	[sflag:s0] =	ssyncset.done $0x0  }
0x92: {  	s30 =	sadd.s32 $0x4E70, s29;
	[sflag:s0] =	ssyncadd.s32 $0xFFFFEC00  }
0x93: {  	[tilespmem:s23], [sflag:$0x2] =	stream.indirect.gather [hbm4b:s4+s21], $0x40, s30, s21, $0xb8;
	[tilespmem:$0x1B440] =	vst v63  }
0x94: {  	_ =	swait.ge [sflag:s24], $0x1400  }
0x95: {  	[sflag:s24] =	ssyncset.done $0x0  }
0x96: {  	s30 =	sadd.s32 $0x9C40, s29;
	[sflag:s24] =	ssyncadd.s32 $0xFFFFEC00  }
0x97: {  	[spmem:s2] =	stream.indirect.scatter.add.f32 [tilespmem:s22], [sflag:$0x3], $0x40, s30, s21, $0xb8;
	[tilespmem:$0x1B440] =	vst v63  }
0x98: {  	_ =	swait.ge [sflag:s31], $0x1400  }
0x99: {  	[sflag:s31] =	ssyncset.done $0x0  }
0x9a: {  	[sflag:s31] =	ssyncadd.s32 $0xFFFFEC00  }
0x9b: {  	_ =	swait.ge [sflag:s26], $0x1400  }
0x9c: {  	s28 =	sshra.s32 s28, $0x2;
	[sflag:s26] =	ssyncset.done $0x0  }
0x9d: {  	s10 =	sadd.s32 $0x9BF0, s28;
	[sflag:s26] =	ssyncadd.s32 $0xFFFFEC00  }
0x9e: {  	[spmem:s2] =	stream.indirect.scatter.add.f32 [tilespmem:s23], [sflag:$0x4], $0x40, s10, s21, $0xb8;
	[tilespmem:$0x1B440] =	vst v63  }
0x9f: {  	_ =	swait.ge [sflag:s0], $0x1400  }
0xa0: {  	[sflag:s0] =	ssyncset.done $0x0  }
0xa1: {  	[sflag:s0] =	ssyncadd.s32 $0xFFFFEC00  }
0xa2: {  	_ =	swait.ge [sflag:s31], $0x1400  }
0xa3: {  	[sflag:s31] =	ssyncset.done $0x0  }
0xa4: {  	[sflag:s31] =	ssyncadd.s32 $0xFFFFEC00  }
0xa5: {  	_ =	swait.ge [sflag:s0], $0x1400  }
0xa6: {  	s29 =	stileid.u32;
	[sflag:s0] =	ssyncset.done $0x0  }
0xa7: {  	s10 =	sshll.u32 s29, $0x6;
	[sflag:s0] =	ssyncadd.s32 $0xFFFFEC00  }
0xa8: {  	s30 =	sshrl.u32 s5, $0x3;
	s10 =	sor.u32 $0x1C05, s10;
	[bflag:$0x0] =	sbarrier.arrive $0xFFFF  }
0xa9: {  	[hbm:s12@s3], [sflag:s10] =	dma.strided [spmem:s30@s1], $0x500, s24, $0x8   }
0xaa: {  	_ =	swait.ge [sflag:s19], $0x500  }
0xab: {  	[sflag:s19] =	ssyncset.done $0x0  }
0xac: {  	s29 =	sshrl.u32 s6, $0x3;
	[sflag:s19] =	ssyncadd.s32 $0xFFFFFB00  }
0xad: {  	[hbm:s13@s3], [sflag:s10] =	dma.strided [spmem:s29@s1], $0x500, s24, $0x8   }
0xae: {  	_ =	swait.ge [sflag:s19], $0x500  }
0xaf: {  	[sflag:s19] =	ssyncset.done $0x0  }
0xb0: {  	s30 =	sshrl.u32 s7, $0x3;
	[sflag:s19] =	ssyncadd.s32 $0xFFFFFB00  }
0xb1: {  	[hbm:s14@s3], [sflag:s10] =	dma.strided [spmem:s30@s1], $0x500, s24, $0x8   }
0xb2: {  	_ =	swait.ge [sflag:s19], $0x500  }
0xb3: {  	[sflag:s19] =	ssyncset.done $0x0  }
0xb4: {  	s29 =	sshrl.u32 s8, $0x3;
	[sflag:s19] =	ssyncadd.s32 $0xFFFFFB00  }
0xb5: {  	[hbm:s15@s3], [sflag:s10] =	dma.strided [spmem:s29@s1], $0x500, s24, $0x8   }
0xb6: {  	s25 =	sadd.s32 $0x1, s25;
	_ =	swait.ge [sflag:s19], $0x500  }
0xb7: {  	p0 =	sne.s32 s25, s17;
	[sflag:s19] =	ssyncset.done $0x0  }
.Ltmp3:
0xb8: {  	s30 =	sshrl.u32 s9, $0x3;
	[sflag:s19] =	ssyncadd.s32 $0xFFFFFB00;
	(pc) =	sbr.rel @p0 .LBB2_1-.Ltmp3, $4  }
0xb9: {  	[hbm:s16@s3], [sflag:s10] =	dma.strided [spmem:s30@s1], $0x500, s24, $0x8   }
0xba: {  	_ =	swait.ge [sflag:s19], $0x500  }
0xbb: {  	[sflag:s19] =	ssyncset.done $0x0  }
0xbc: {  	[sflag:s19] =	ssyncadd.s32 $0xFFFFFB00  }
0xbd: {  	_ =	sfence.sel $0x180000  }
0xbe: {  	[bflag:$0x0] =	sbarrier.arrive $0xFFFF  }
0xbf: {  	_ =	strace $0x9000004A  }
0xc0: {  	s0 =	stileid.u32;
	[bflag:$0x2] =	sbarrier.arrive $0xFFFF  }
0xc1: {  	p0 =	sne.s32 s0, $0x0;
	s0 =	rddreg [dreg:$0x2]  }
0xc2: {  	s0 =	sadd.s32 @!p0 $0x100000, s0  }
0xc3: {  	[sflag:s0] =	ssyncadd.tile.s32 @!p0 $0x1;
	_ =	shalt  }
.Lfunc_end2:
_tile_overlayer_lowered:
.L_overlay_start_2:
0xc4: {  	(tag) =	ssettag $0x2  }
0xc5: {  	s0 =	rddreg [dreg:$0x0];
	s2 =	stileid.u32  }
0xc6: {  	s1 =	rddreg [dreg:$0x1];
	p0 =	sne.s32 s2, $0x0  }
0xc7: {  	s3 =	rddreg [dreg:$0x2];
	[bflag:$0x3] =	sbarrier.arrive $0xFFFF;
	s2 =	simm.s32 @!p0 $0x1C05  }
0xc8: {  	[timem:s3], [sflag:s2] =	dma.local @!p0 [hbm:s0], s1  }
0xc9: {  	s0 =	simm.s32 @!p0 $0x5  }
0xca: {  	_ =	swait.ge @!p0 [sflag:s0], s1  }
0xcb: {  	s1 =	ssub.s32 @!p0 $0x0, s1;
	[sflag:s0] =	ssyncset.done @!p0 $0x0  }
0xcc: {  	[sflag:s0] =	ssyncadd.s32 @!p0 s1  }
0xcd: {  	[bflag:$0x3] =	sbarrier.arrive $0xFFFF  }
0xce: {  	_ =	shalt  }

</sc_bundles>
